<compile_context>
chip_gen: v7x
topology: tpu7x:2x2x1
jax: 0.10.2.dev20260603
libtpu: 0.0.44.dev20260713+nightly
codegen_flags: <defaults>
</compile_context>

<pallas_src>
import functools

import jax
import jax.numpy as jnp
from jax import lax
from jax.experimental import pallas as pl
from jax.experimental.pallas import tpu as pltpu
from jax.experimental.pallas import tpu_sc as plsc

D_MODEL = 64
SCALE = 8.0
_S = 4


@functools.lru_cache(maxsize=None)
def _make_tc_prep(V: int):
    BW = 8192

    def body(a_ref, o_ref):
        t = a_ref[...].T.reshape(BW // 2, 2, D_MODEL) * SCALE
        o_ref[:, :D_MODEL] = t[:, 0, :]
        o_ref[:, D_MODEL:] = t[:, 1, :]

    grid = (V + BW - 1) // BW
    return pl.pallas_call(
        body,
        grid=(grid,),
        in_specs=[pl.BlockSpec((D_MODEL, BW), lambda i: (0, i))],
        out_specs=pl.BlockSpec((BW // 2, 2 * D_MODEL), lambda i: (i, 0)),
        out_shape=jax.ShapeDtypeStruct((V // 2, 2 * D_MODEL), jnp.float32),
    )


@functools.lru_cache(maxsize=None)
def _make_sc_gather(R: int, C: int, V: int):
    info = plsc.get_sparse_core_info()
    NC, NS = info.num_cores, info.num_subcores
    NW = NC * NS
    assert R % (NW * _S) == 0, R
    chunks_per_w = R // (NW * _S)
    xrows_per_w = R // NW
    splits = []
    o = 0
    while o < C:
        splits.append((o, min(128, C - o)))
        o += 128

    mesh = plsc.VectorSubcoreMesh(core_axis_name="c", subcore_axis_name="s")

    @functools.partial(
        pl.kernel,
        mesh=mesh,
        out_type=jax.ShapeDtypeStruct((R, C, D_MODEL), jnp.float32),
        scratch_types=[
            pltpu.VMEM((2, _S, C), jnp.int32),
            pltpu.VMEM((2, _S, C, D_MODEL), jnp.float32),
            pltpu.SemaphoreType.DMA,
            pltpu.SemaphoreType.DMA,
        ],
        compiler_params=pltpu.CompilerParams(use_tc_tiling_on_sc=False),
    )
    def k(emb_hbm, idx_hbm, out_hbm, idx_v, rows_v, sem0, sem1):
        sems = (sem0, sem1)
        wid = lax.axis_index("s") * NC + lax.axis_index("c")
        w_xrow0 = wid * xrows_per_w

        def fire(c, p):
            xrow = w_xrow0 + c * _S
            pltpu.sync_copy(idx_hbm.at[pl.ds(xrow, _S)], idx_v.at[p])
            for r in range(_S):
                for o, n in splits:
                    pltpu.async_copy(
                        emb_hbm.at[idx_v.at[p, r, pl.ds(o, n)]],
                        rows_v.at[p, r, pl.ds(o, n)],
                        sems[p],
                    )

        def drain(p):
            for r in range(_S):
                for o, n in splits:
                    pltpu.make_async_copy(
                        emb_hbm.at[idx_v.at[p, r, pl.ds(o, n)]],
                        rows_v.at[p, r, pl.ds(o, n)],
                        sems[p],
                    ).wait()

        def finish(c, p):
            drain(p)
            xrow = w_xrow0 + c * _S
            pltpu.sync_copy(rows_v.at[p], out_hbm.at[pl.ds(xrow, _S)])

        fire(0, 0)

        def pair_body(i, carry):
            for b in range(2):
                c = 2 * i + b
                fire(c + 1, 1 - b)
                finish(c, b)
            return carry

        n = chunks_per_w
        lax.fori_loop(0, (n - 1) // 2, pair_body, 0)
        if n % 2 == 1:
            finish(n - 1, (n - 1) % 2)
        else:
            fire(n - 1, (n - 1) % 2)
            finish(n - 2, (n - 2) % 2)
            finish(n - 1, (n - 1) % 2)

    return k


def kernel(x, emb):
    xi = x.astype(jnp.int32)
    V = emb.shape[0]
    embL = _make_tc_prep(V)(emb.T).reshape(V, D_MODEL)
    return _make_sc_gather(x.shape[0], x.shape[1], V)(embL, xi)

# --- scband reference (transcript-rebuilt; emitter-appended) ---
"""Pipeline reference for scband-embedding-layer-1022202217074 (READ-ONLY COPY).

The authoritative reference and input builder live on the scoring server;
editing this copy changes nothing except your own understanding.
"""

import jax, jax.numpy as jnp
import numpy as np

VOCAB = 1000000
D_MODEL = 64

def setup_inputs(seed: int = 0) -> dict:
    key = jax.random.key(seed)
    k1, k2 = jax.random.split(key)
    x = jax.random.randint(k1, (4096, 200), 0, VOCAB, dtype=jnp.int64 if jax.config.jax_enable_x64 else jnp.int32)
    emb = jax.random.normal(k2, (VOCAB, D_MODEL), dtype=jnp.float32) * 0.1
    return {"x": x, "emb": emb}

def reference(x, emb):
    # tf.nn.embedding_lookup -> gather rows
    out = jnp.take(emb, x, axis=0)
    # scale by sqrt(d_model)
    out = out * jnp.sqrt(jnp.asarray(D_MODEL, dtype=jnp.float32))
    return out

if __name__ == "__main__":
    import jax
    _d = setup_inputs()
    print(jax.jit(kernel)(*tuple(_d.values())))

</pallas_src>

<mosaic_0001>
#map = affine_map<(d0, d1) -> (0, 0)>
#map1 = affine_map<(d0, d1) -> (0, 0, 0)>
module attributes {stable_mosaic.version = 14 : i64} {
  func.func @k(%arg0: i32, %arg1: i32, %arg2: memref<1000000x64xf32, #tpu.memory_space<hbm>>, %arg3: memref<4096x200xi32, #tpu.memory_space<hbm>>, %arg4: memref<4096x200x64xf32, #tpu.memory_space<hbm>>, %arg5: memref<2x4x200xi32, #tpu.memory_space<vmem>>, %arg6: memref<2x4x200x64xf32, #tpu.memory_space<vmem>>, %arg7: memref<!tpu.dma_semaphore, #tpu.memory_space<semaphore_mem>>, %arg8: memref<!tpu.dma_semaphore, #tpu.memory_space<semaphore_mem>>) attributes {dimension_semantics = [#tpu.dimension_semantics<core_parallel>, #tpu.dimension_semantics<subcore_parallel>], iteration_bounds = array<i64: 2, 16>, scalar_prefetch = 0 : i64, scratch_operands = 4 : i64, tpu.core_type = #tpu.core_type<sc_vector_subcore>, window_params = [{transform_indices = #map}, {transform_indices = #map}, {transform_indices = #map1}]} {
    %mul3A = arith.constant 2 : i32
    %mul3A_0 = arith.muli %arg1, %mul3A : i32
    %add3A = arith.addi %mul3A_0, %arg0 : i32
    %mul3A_1 = arith.constant 128 : i32
    %mul3A_2 = arith.muli %add3A, %mul3A_1 : i32
    %add3A_3 = arith.constant 0 : i32
    %add3A_4 = arith.addi %mul3A_2, %add3A_3 : i32
    %run_scoped3A = arith.constant 0 : i32
    "tpu.region"() ({
      %run_scoped3A_465 = tpu.sem_alloc : memref<!tpu.dma_semaphore, #tpu.memory_space<semaphore_mem>>
      %dma_start3A_466 = arith.constant 0 : i32
      %dma_start3A_467 = arith.constant 0 : i32
      %dma_start3A_468 = tpu.memref_slice %arg5[%run_scoped3A, %dma_start3A_466, %dma_start3A_467] : memref<2x4x200xi32, #tpu.memory_space<vmem>> -> memref<1x4x200xi32, #tpu.memory_space<vmem>>
      %dma_start3A_469 = tpu.memref_squeeze %dma_start3A_468 : memref<1x4x200xi32, #tpu.memory_space<vmem>> -> memref<4x200xi32, #tpu.memory_space<vmem>>
      %dma_start3A_470 = arith.constant 0 : i32
      %dma_start3A_471 = tpu.memref_slice %arg3[%add3A_4, %dma_start3A_470] : memref<4096x200xi32, #tpu.memory_space<hbm>> -> memref<4x200xi32, #tpu.memory_space<hbm>>
      %dma_start3A_472 = arith.constant 0 : i32
      %dma_start3A_473 = arith.constant 0 : i32
      %dma_start3A_474 = tpu.memref_slice %arg5[%run_scoped3A, %dma_start3A_472, %dma_start3A_473] : memref<2x4x200xi32, #tpu.memory_space<vmem>> -> memref<1x4x200xi32, #tpu.memory_space<vmem>>
      %dma_start3A_475 = tpu.memref_squeeze %dma_start3A_474 : memref<1x4x200xi32, #tpu.memory_space<vmem>> -> memref<4x200xi32, #tpu.memory_space<vmem>>
      %dma_start3A_476 = arith.constant 0 : i32
      %dma_start3A_477 = tpu.memref_slice %arg3[%add3A_4, %dma_start3A_476] : memref<4096x200xi32, #tpu.memory_space<hbm>> -> memref<4x200xi32, #tpu.memory_space<hbm>>
      tpu.enqueue_dma source(%dma_start3A_477 : memref<4x200xi32, #tpu.memory_space<hbm>>) target(%dma_start3A_475 : memref<4x200xi32, #tpu.memory_space<vmem>>) target_semaphore(%run_scoped3A_465 : memref<!tpu.dma_semaphore, #tpu.memory_space<semaphore_mem>>)
      %dma_wait3A_478 = arith.constant 0 : i32
      %dma_wait3A_479 = arith.constant 0 : i32
      %dma_wait3A_480 = tpu.memref_slice %arg5[%run_scoped3A, %dma_wait3A_478, %dma_wait3A_479] : memref<2x4x200xi32, #tpu.memory_space<vmem>> -> memref<1x4x200xi32, #tpu.memory_space<vmem>>
      %dma_wait3A_481 = tpu.memref_squeeze %dma_wait3A_480 : memref<1x4x200xi32, #tpu.memory_space<vmem>> -> memref<4x200xi32, #tpu.memory_space<vmem>>
      %dma_wait3A_482 = arith.constant 0 : i32
      %dma_wait3A_483 = tpu.memref_slice %arg3[%add3A_4, %dma_wait3A_482] : memref<4096x200xi32, #tpu.memory_space<hbm>> -> memref<4x200xi32, #tpu.memory_space<hbm>>
      %dma_wait3A_484 = arith.constant 0 : i32
      %dma_wait3A_485 = arith.constant 0 : i32
      %dma_wait3A_486 = tpu.memref_slice %arg5[%run_scoped3A, %dma_wait3A_484, %dma_wait3A_485] : memref<2x4x200xi32, #tpu.memory_space<vmem>> -> memref<1x4x200xi32, #tpu.memory_space<vmem>>
      %dma_wait3A_487 = tpu.memref_squeeze %dma_wait3A_486 : memref<1x4x200xi32, #tpu.memory_space<vmem>> -> memref<4x200xi32, #tpu.memory_space<vmem>>
      %dma_wait3A_488 = arith.constant 0 : i32
      %dma_wait3A_489 = tpu.memref_slice %arg3[%add3A_4, %dma_wait3A_488] : memref<4096x200xi32, #tpu.memory_space<hbm>> -> memref<4x200xi32, #tpu.memory_space<hbm>>
      tpu.wait_dma2 semaphore(%run_scoped3A_465 : memref<!tpu.dma_semaphore, #tpu.memory_space<semaphore_mem>>) src(%dma_wait3A_489 : memref<4x200xi32, #tpu.memory_space<hbm>>) dst(%dma_wait3A_487 : memref<4x200xi32, #tpu.memory_space<vmem>>)
      tpu.yield
    }) : () -> ()
    %dma_start3A = arith.constant 0 : i32
    %dma_start3A_5 = arith.constant 0 : i32
    %dma_start3A_6 = arith.constant 0 : i32
    %dma_start3A_7 = arith.constant 0 : i32
    %dma_start3A_8 = arith.constant 0 : i32
    %dma_start3A_9 = arith.constant 0 : i32
    %dma_start3A_10 = tpu.memref_slice %arg6[%dma_start3A_6, %dma_start3A_7, %dma_start3A_8, %dma_start3A_9] : memref<2x4x200x64xf32, #tpu.memory_space<vmem>> -> memref<1x1x128x64xf32, #tpu.memory_space<vmem>>
    %dma_start3A_11 = tpu.memref_squeeze %dma_start3A_10 : memref<1x1x128x64xf32, #tpu.memory_space<vmem>> -> memref<128x64xf32, #tpu.memory_space<vmem>>
    %dma_start3A_12 = arith.constant 0 : i32
    %dma_start3A_13 = tpu.memref_slice %arg5[%dma_start3A, %dma_start3A_5, %dma_start3A_12] : memref<2x4x200xi32, #tpu.memory_space<vmem>> -> memref<1x1x128xi32, #tpu.memory_space<vmem>>
    %dma_start3A_14 = tpu.memref_squeeze %dma_start3A_13 : memref<1x1x128xi32, #tpu.memory_space<vmem>> -> memref<128xi32, #tpu.memory_space<vmem>>
    %dma_start3A_15 = arith.constant 0 : i32
    %dma_start3A_16 = arith.constant 0 : i32
    %dma_start3A_17 = tpu.memref_slice %arg2[%dma_start3A_15, %dma_start3A_16] : memref<1000000x64xf32, #tpu.memory_space<hbm>> -> memref<1000000x64xf32, #tpu.memory_space<hbm>>
    tpu.enqueue_indirect_dma source(%dma_start3A_17 : memref<1000000x64xf32, #tpu.memory_space<hbm>>) target(%dma_start3A_11 : memref<128x64xf32, #tpu.memory_space<vmem>>) offsets(%dma_start3A_14 : memref<128xi32, #tpu.memory_space<vmem>>) semaphore(%arg7 : memref<!tpu.dma_semaphore, #tpu.memory_space<semaphore_mem>>)
    %dma_start3A_18 = arith.constant 0 : i32
    %dma_start3A_19 = arith.constant 0 : i32
    %dma_start3A_20 = arith.constant 0 : i32
    %dma_start3A_21 = arith.constant 0 : i32
    %dma_start3A_22 = arith.constant 128 : i32
    %dma_start3A_23 = arith.constant 0 : i32
    %dma_start3A_24 = tpu.memref_slice %arg6[%dma_start3A_20, %dma_start3A_21, %dma_start3A_22, %dma_start3A_23] : memref<2x4x200x64xf32, #tpu.memory_space<vmem>> -> memref<1x1x72x64xf32, #tpu.memory_space<vmem>>
    %dma_start3A_25 = tpu.memref_squeeze %dma_start3A_24 : memref<1x1x72x64xf32, #tpu.memory_space<vmem>> -> memref<72x64xf32, #tpu.memory_space<vmem>>
    %dma_start3A_26 = arith.constant 128 : i32
    %dma_start3A_27 = tpu.memref_slice %arg5[%dma_start3A_18, %dma_start3A_19, %dma_start3A_26] : memref<2x4x200xi32, #tpu.memory_space<vmem>> -> memref<1x1x72xi32, #tpu.memory_space<vmem>>
    %dma_start3A_28 = tpu.memref_squeeze %dma_start3A_27 : memref<1x1x72xi32, #tpu.memory_space<vmem>> -> memref<72xi32, #tpu.memory_space<vmem>>
    %dma_start3A_29 = arith.constant 0 : i32
    %dma_start3A_30 = arith.constant 0 : i32
    %dma_start3A_31 = tpu.memref_slice %arg2[%dma_start3A_29, %dma_start3A_30] : memref<1000000x64xf32, #tpu.memory_space<hbm>> -> memref<1000000x64xf32, #tpu.memory_space<hbm>>
    tpu.enqueue_indirect_dma source(%dma_start3A_31 : memref<1000000x64xf32, #tpu.memory_space<hbm>>) target(%dma_start3A_25 : memref<72x64xf32, #tpu.memory_space<vmem>>) offsets(%dma_start3A_28 : memref<72xi32, #tpu.memory_space<vmem>>) semaphore(%arg7 : memref<!tpu.dma_semaphore, #tpu.memory_space<semaphore_mem>>)
    %dma_start3A_32 = arith.constant 0 : i32
    %dma_start3A_33 = arith.constant 1 : i32
    %dma_start3A_34 = arith.constant 0 : i32
    %dma_start3A_35 = arith.constant 1 : i32
    %dma_start3A_36 = arith.constant 0 : i32
    %dma_start3A_37 = arith.constant 0 : i32
    %dma_start3A_38 = tpu.memref_slice %arg6[%dma_start3A_34, %dma_start3A_35, %dma_start3A_36, %dma_start3A_37] : memref<2x4x200x64xf32, #tpu.memory_space<vmem>> -> memref<1x1x128x64xf32, #tpu.memory_space<vmem>>
    %dma_start3A_39 = tpu.memref_squeeze %dma_start3A_38 : memref<1x1x128x64xf32, #tpu.memory_space<vmem>> -> memref<128x64xf32, #tpu.memory_space<vmem>>
    %dma_start3A_40 = arith.constant 0 : i32
    %dma_start3A_41 = tpu.memref_slice %arg5[%dma_start3A_32, %dma_start3A_33, %dma_start3A_40] : memref<2x4x200xi32, #tpu.memory_space<vmem>> -> memref<1x1x128xi32, #tpu.memory_space<vmem>>
    %dma_start3A_42 = tpu.memref_squeeze %dma_start3A_41 : memref<1x1x128xi32, #tpu.memory_space<vmem>> -> memref<128xi32, #tpu.memory_space<vmem>>
    %dma_start3A_43 = arith.constant 0 : i32
    %dma_start3A_44 = arith.constant 0 : i32
    %dma_start3A_45 = tpu.memref_slice %arg2[%dma_start3A_43, %dma_start3A_44] : memref<1000000x64xf32, #tpu.memory_space<hbm>> -> memref<1000000x64xf32, #tpu.memory_space<hbm>>
    tpu.enqueue_indirect_dma source(%dma_start3A_45 : memref<1000000x64xf32, #tpu.memory_space<hbm>>) target(%dma_start3A_39 : memref<128x64xf32, #tpu.memory_space<vmem>>) offsets(%dma_start3A_42 : memref<128xi32, #tpu.memory_space<vmem>>) semaphore(%arg7 : memref<!tpu.dma_semaphore, #tpu.memory_space<semaphore_mem>>)
    %dma_start3A_46 = arith.constant 0 : i32
    %dma_start3A_47 = arith.constant 1 : i32
    %dma_start3A_48 = arith.constant 0 : i32
    %dma_start3A_49 = arith.constant 1 : i32
    %dma_start3A_50 = arith.constant 128 : i32
    %dma_start3A_51 = arith.constant 0 : i32
    %dma_start3A_52 = tpu.memref_slice %arg6[%dma_start3A_48, %dma_start3A_49, %dma_start3A_50, %dma_start3A_51] : memref<2x4x200x64xf32, #tpu.memory_space<vmem>> -> memref<1x1x72x64xf32, #tpu.memory_space<vmem>>
    %dma_start3A_53 = tpu.memref_squeeze %dma_start3A_52 : memref<1x1x72x64xf32, #tpu.memory_space<vmem>> -> memref<72x64xf32, #tpu.memory_space<vmem>>
    %dma_start3A_54 = arith.constant 128 : i32
    %dma_start3A_55 = tpu.memref_slice %arg5[%dma_start3A_46, %dma_start3A_47, %dma_start3A_54] : memref<2x4x200xi32, #tpu.memory_space<vmem>> -> memref<1x1x72xi32, #tpu.memory_space<vmem>>
    %dma_start3A_56 = tpu.memref_squeeze %dma_start3A_55 : memref<1x1x72xi32, #tpu.memory_space<vmem>> -> memref<72xi32, #tpu.memory_space<vmem>>
    %dma_start3A_57 = arith.constant 0 : i32
    %dma_start3A_58 = arith.constant 0 : i32
    %dma_start3A_59 = tpu.memref_slice %arg2[%dma_start3A_57, %dma_start3A_58] : memref<1000000x64xf32, #tpu.memory_space<hbm>> -> memref<1000000x64xf32, #tpu.memory_space<hbm>>
    tpu.enqueue_indirect_dma source(%dma_start3A_59 : memref<1000000x64xf32, #tpu.memory_space<hbm>>) target(%dma_start3A_53 : memref<72x64xf32, #tpu.memory_space<vmem>>) offsets(%dma_start3A_56 : memref<72xi32, #tpu.memory_space<vmem>>) semaphore(%arg7 : memref<!tpu.dma_semaphore, #tpu.memory_space<semaphore_mem>>)
    %dma_start3A_60 = arith.constant 0 : i32
    %dma_start3A_61 = arith.constant 2 : i32
    %dma_start3A_62 = arith.constant 0 : i32
    %dma_start3A_63 = arith.constant 2 : i32
    %dma_start3A_64 = arith.constant 0 : i32
    %dma_start3A_65 = arith.constant 0 : i32
    %dma_start3A_66 = tpu.memref_slice %arg6[%dma_start3A_62, %dma_start3A_63, %dma_start3A_64, %dma_start3A_65] : memref<2x4x200x64xf32, #tpu.memory_space<vmem>> -> memref<1x1x128x64xf32, #tpu.memory_space<vmem>>
    %dma_start3A_67 = tpu.memref_squeeze %dma_start3A_66 : memref<1x1x128x64xf32, #tpu.memory_space<vmem>> -> memref<128x64xf32, #tpu.memory_space<vmem>>
    %dma_start3A_68 = arith.constant 0 : i32
    %dma_start3A_69 = tpu.memref_slice %arg5[%dma_start3A_60, %dma_start3A_61, %dma_start3A_68] : memref<2x4x200xi32, #tpu.memory_space<vmem>> -> memref<1x1x128xi32, #tpu.memory_space<vmem>>
    %dma_start3A_70 = tpu.memref_squeeze %dma_start3A_69 : memref<1x1x128xi32, #tpu.memory_space<vmem>> -> memref<128xi32, #tpu.memory_space<vmem>>
    %dma_start3A_71 = arith.constant 0 : i32
    %dma_start3A_72 = arith.constant 0 : i32
    %dma_start3A_73 = tpu.memref_slice %arg2[%dma_start3A_71, %dma_start3A_72] : memref<1000000x64xf32, #tpu.memory_space<hbm>> -> memref<1000000x64xf32, #tpu.memory_space<hbm>>
    tpu.enqueue_indirect_dma source(%dma_start3A_73 : memref<1000000x64xf32, #tpu.memory_space<hbm>>) target(%dma_start3A_67 : memref<128x64xf32, #tpu.memory_space<vmem>>) offsets(%dma_start3A_70 : memref<128xi32, #tpu.memory_space<vmem>>) semaphore(%arg7 : memref<!tpu.dma_semaphore, #tpu.memory_space<semaphore_mem>>)
    %dma_start3A_74 = arith.constant 0 : i32
    %dma_start3A_75 = arith.constant 2 : i32
    %dma_start3A_76 = arith.constant 0 : i32
    %dma_start3A_77 = arith.constant 2 : i32
    %dma_start3A_78 = arith.constant 128 : i32
    %dma_start3A_79 = arith.constant 0 : i32
    %dma_start3A_80 = tpu.memref_slice %arg6[%dma_start3A_76, %dma_start3A_77, %dma_start3A_78, %dma_start3A_79] : memref<2x4x200x64xf32, #tpu.memory_space<vmem>> -> memref<1x1x72x64xf32, #tpu.memory_space<vmem>>
    %dma_start3A_81 = tpu.memref_squeeze %dma_start3A_80 : memref<1x1x72x64xf32, #tpu.memory_space<vmem>> -> memref<72x64xf32, #tpu.memory_space<vmem>>
    %dma_start3A_82 = arith.constant 128 : i32
    %dma_start3A_83 = tpu.memref_slice %arg5[%dma_start3A_74, %dma_start3A_75, %dma_start3A_82] : memref<2x4x200xi32, #tpu.memory_space<vmem>> -> memref<1x1x72xi32, #tpu.memory_space<vmem>>
    %dma_start3A_84 = tpu.memref_squeeze %dma_start3A_83 : memref<1x1x72xi32, #tpu.memory_space<vmem>> -> memref<72xi32, #tpu.memory_space<vmem>>
    %dma_start3A_85 = arith.constant 0 : i32
    %dma_start3A_86 = arith.constant 0 : i32
    %dma_start3A_87 = tpu.memref_slice %arg2[%dma_start3A_85, %dma_start3A_86] : memref<1000000x64xf32, #tpu.memory_space<hbm>> -> memref<1000000x64xf32, #tpu.memory_space<hbm>>
    tpu.enqueue_indirect_dma source(%dma_start3A_87 : memref<1000000x64xf32, #tpu.memory_space<hbm>>) target(%dma_start3A_81 : memref<72x64xf32, #tpu.memory_space<vmem>>) offsets(%dma_start3A_84 : memref<72xi32, #tpu.memory_space<vmem>>) semaphore(%arg7 : memref<!tpu.dma_semaphore, #tpu.memory_space<semaphore_mem>>)
    %dma_start3A_88 = arith.constant 0 : i32
    %dma_start3A_89 = arith.constant 3 : i32
    %dma_start3A_90 = arith.constant 0 : i32
    %dma_start3A_91 = arith.constant 3 : i32
    %dma_start3A_92 = arith.constant 0 : i32
    %dma_start3A_93 = arith.constant 0 : i32
    %dma_start3A_94 = tpu.memref_slice %arg6[%dma_start3A_90, %dma_start3A_91, %dma_start3A_92, %dma_start3A_93] : memref<2x4x200x64xf32, #tpu.memory_space<vmem>> -> memref<1x1x128x64xf32, #tpu.memory_space<vmem>>
    %dma_start3A_95 = tpu.memref_squeeze %dma_start3A_94 : memref<1x1x128x64xf32, #tpu.memory_space<vmem>> -> memref<128x64xf32, #tpu.memory_space<vmem>>
    %dma_start3A_96 = arith.constant 0 : i32
    %dma_start3A_97 = tpu.memref_slice %arg5[%dma_start3A_88, %dma_start3A_89, %dma_start3A_96] : memref<2x4x200xi32, #tpu.memory_space<vmem>> -> memref<1x1x128xi32, #tpu.memory_space<vmem>>
    %dma_start3A_98 = tpu.memref_squeeze %dma_start3A_97 : memref<1x1x128xi32, #tpu.memory_space<vmem>> -> memref<128xi32, #tpu.memory_space<vmem>>
    %dma_start3A_99 = arith.constant 0 : i32
    %dma_start3A_100 = arith.constant 0 : i32
    %dma_start3A_101 = tpu.memref_slice %arg2[%dma_start3A_99, %dma_start3A_100] : memref<1000000x64xf32, #tpu.memory_space<hbm>> -> memref<1000000x64xf32, #tpu.memory_space<hbm>>
    tpu.enqueue_indirect_dma source(%dma_start3A_101 : memref<1000000x64xf32, #tpu.memory_space<hbm>>) target(%dma_start3A_95 : memref<128x64xf32, #tpu.memory_space<vmem>>) offsets(%dma_start3A_98 : memref<128xi32, #tpu.memory_space<vmem>>) semaphore(%arg7 : memref<!tpu.dma_semaphore, #tpu.memory_space<semaphore_mem>>)
    %dma_start3A_102 = arith.constant 0 : i32
    %dma_start3A_103 = arith.constant 3 : i32
    %dma_start3A_104 = arith.constant 0 : i32
    %dma_start3A_105 = arith.constant 3 : i32
    %dma_start3A_106 = arith.constant 128 : i32
    %dma_start3A_107 = arith.constant 0 : i32
    %dma_start3A_108 = tpu.memref_slice %arg6[%dma_start3A_104, %dma_start3A_105, %dma_start3A_106, %dma_start3A_107] : memref<2x4x200x64xf32, #tpu.memory_space<vmem>> -> memref<1x1x72x64xf32, #tpu.memory_space<vmem>>
    %dma_start3A_109 = tpu.memref_squeeze %dma_start3A_108 : memref<1x1x72x64xf32, #tpu.memory_space<vmem>> -> memref<72x64xf32, #tpu.memory_space<vmem>>
    %dma_start3A_110 = arith.constant 128 : i32
    %dma_start3A_111 = tpu.memref_slice %arg5[%dma_start3A_102, %dma_start3A_103, %dma_start3A_110] : memref<2x4x200xi32, #tpu.memory_space<vmem>> -> memref<1x1x72xi32, #tpu.memory_space<vmem>>
    %dma_start3A_112 = tpu.memref_squeeze %dma_start3A_111 : memref<1x1x72xi32, #tpu.memory_space<vmem>> -> memref<72xi32, #tpu.memory_space<vmem>>
    %dma_start3A_113 = arith.constant 0 : i32
    %dma_start3A_114 = arith.constant 0 : i32
    %dma_start3A_115 = tpu.memref_slice %arg2[%dma_start3A_113, %dma_start3A_114] : memref<1000000x64xf32, #tpu.memory_space<hbm>> -> memref<1000000x64xf32, #tpu.memory_space<hbm>>
    tpu.enqueue_indirect_dma source(%dma_start3A_115 : memref<1000000x64xf32, #tpu.memory_space<hbm>>) target(%dma_start3A_109 : memref<72x64xf32, #tpu.memory_space<vmem>>) offsets(%dma_start3A_112 : memref<72xi32, #tpu.memory_space<vmem>>) semaphore(%arg7 : memref<!tpu.dma_semaphore, #tpu.memory_space<semaphore_mem>>)
    %scan3A = arith.constant 0 : i32
    %scan3A_116 = arith.constant 0 : i32
    %scan3A_117 = arith.constant 15 : i32
    %scan3A_118 = arith.addi %scan3A_116, %scan3A_117 : i32
    %scan3A_119 = arith.constant 1 : i32
    scf.for %scan3A_465 = %scan3A_116 to %scan3A_118 step %scan3A_119  : i32 {
      %mul3A_466 = arith.constant 2 : i32
      %mul3A_467 = arith.muli %mul3A_466, %scan3A_465 : i32
      %add3A_468 = arith.constant 0 : i32
      %add3A_469 = arith.addi %mul3A_467, %add3A_468 : i32
      %add3A_470 = arith.constant 1 : i32
      %add3A_471 = arith.addi %add3A_469, %add3A_470 : i32
      %mul3A_472 = arith.constant 4 : i32
      %mul3A_473 = arith.muli %add3A_471, %mul3A_472 : i32
      %add3A_474 = arith.addi %mul3A_2, %mul3A_473 : i32
      %run_scoped3A_475 = arith.constant 1 : i32
      "tpu.region"() ({
        %run_scoped3A_942 = tpu.sem_alloc : memref<!tpu.dma_semaphore, #tpu.memory_space<semaphore_mem>>
        %dma_start3A_943 = arith.constant 0 : i32
        %dma_start3A_944 = arith.constant 0 : i32
        %dma_start3A_945 = tpu.memref_slice %arg5[%run_scoped3A_475, %dma_start3A_943, %dma_start3A_944] : memref<2x4x200xi32, #tpu.memory_space<vmem>> -> memref<1x4x200xi32, #tpu.memory_space<vmem>>
        %dma_start3A_946 = tpu.memref_squeeze %dma_start3A_945 : memref<1x4x200xi32, #tpu.memory_space<vmem>> -> memref<4x200xi32, #tpu.memory_space<vmem>>
        %dma_start3A_947 = arith.constant 0 : i32
        %dma_start3A_948 = tpu.memref_slice %arg3[%add3A_474, %dma_start3A_947] : memref<4096x200xi32, #tpu.memory_space<hbm>> -> memref<4x200xi32, #tpu.memory_space<hbm>>
        %dma_start3A_949 = arith.constant 0 : i32
        %dma_start3A_950 = arith.constant 0 : i32
        %dma_start3A_951 = tpu.memref_slice %arg5[%run_scoped3A_475, %dma_start3A_949, %dma_start3A_950] : memref<2x4x200xi32, #tpu.memory_space<vmem>> -> memref<1x4x200xi32, #tpu.memory_space<vmem>>
        %dma_start3A_952 = tpu.memref_squeeze %dma_start3A_951 : memref<1x4x200xi32, #tpu.memory_space<vmem>> -> memref<4x200xi32, #tpu.memory_space<vmem>>
        %dma_start3A_953 = arith.constant 0 : i32
        %dma_start3A_954 = tpu.memref_slice %arg3[%add3A_474, %dma_start3A_953] : memref<4096x200xi32, #tpu.memory_space<hbm>> -> memref<4x200xi32, #tpu.memory_space<hbm>>
        tpu.enqueue_dma source(%dma_start3A_954 : memref<4x200xi32, #tpu.memory_space<hbm>>) target(%dma_start3A_952 : memref<4x200xi32, #tpu.memory_space<vmem>>) target_semaphore(%run_scoped3A_942 : memref<!tpu.dma_semaphore, #tpu.memory_space<semaphore_mem>>)
        %dma_wait3A_955 = arith.constant 0 : i32
        %dma_wait3A_956 = arith.constant 0 : i32
        %dma_wait3A_957 = tpu.memref_slice %arg5[%run_scoped3A_475, %dma_wait3A_955, %dma_wait3A_956] : memref<2x4x200xi32, #tpu.memory_space<vmem>> -> memref<1x4x200xi32, #tpu.memory_space<vmem>>
        %dma_wait3A_958 = tpu.memref_squeeze %dma_wait3A_957 : memref<1x4x200xi32, #tpu.memory_space<vmem>> -> memref<4x200xi32, #tpu.memory_space<vmem>>
        %dma_wait3A_959 = arith.constant 0 : i32
        %dma_wait3A_960 = tpu.memref_slice %arg3[%add3A_474, %dma_wait3A_959] : memref<4096x200xi32, #tpu.memory_space<hbm>> -> memref<4x200xi32, #tpu.memory_space<hbm>>
        %dma_wait3A_961 = arith.constant 0 : i32
        %dma_wait3A_962 = arith.constant 0 : i32
        %dma_wait3A_963 = tpu.memref_slice %arg5[%run_scoped3A_475, %dma_wait3A_961, %dma_wait3A_962] : memref<2x4x200xi32, #tpu.memory_space<vmem>> -> memref<1x4x200xi32, #tpu.memory_space<vmem>>
        %dma_wait3A_964 = tpu.memref_squeeze %dma_wait3A_963 : memref<1x4x200xi32, #tpu.memory_space<vmem>> -> memref<4x200xi32, #tpu.memory_space<vmem>>
        %dma_wait3A_965 = arith.constant 0 : i32
        %dma_wait3A_966 = tpu.memref_slice %arg3[%add3A_474, %dma_wait3A_965] : memref<4096x200xi32, #tpu.memory_space<hbm>> -> memref<4x200xi32, #tpu.memory_space<hbm>>
        tpu.wait_dma2 semaphore(%run_scoped3A_942 : memref<!tpu.dma_semaphore, #tpu.memory_space<semaphore_mem>>) src(%dma_wait3A_966 : memref<4x200xi32, #tpu.memory_space<hbm>>) dst(%dma_wait3A_964 : memref<4x200xi32, #tpu.memory_space<vmem>>)
        tpu.yield
      }) : () -> ()
      %dma_start3A_476 = arith.constant 1 : i32
      %dma_start3A_477 = arith.constant 0 : i32
      %dma_start3A_478 = arith.constant 1 : i32
      %dma_start3A_479 = arith.constant 0 : i32
      %dma_start3A_480 = arith.constant 0 : i32
      %dma_start3A_481 = arith.constant 0 : i32
      %dma_start3A_482 = tpu.memref_slice %arg6[%dma_start3A_478, %dma_start3A_479, %dma_start3A_480, %dma_start3A_481] : memref<2x4x200x64xf32, #tpu.memory_space<vmem>> -> memref<1x1x128x64xf32, #tpu.memory_space<vmem>>
      %dma_start3A_483 = tpu.memref_squeeze %dma_start3A_482 : memref<1x1x128x64xf32, #tpu.memory_space<vmem>> -> memref<128x64xf32, #tpu.memory_space<vmem>>
      %dma_start3A_484 = arith.constant 0 : i32
      %dma_start3A_485 = tpu.memref_slice %arg5[%dma_start3A_476, %dma_start3A_477, %dma_start3A_484] : memref<2x4x200xi32, #tpu.memory_space<vmem>> -> memref<1x1x128xi32, #tpu.memory_space<vmem>>
      %dma_start3A_486 = tpu.memref_squeeze %dma_start3A_485 : memref<1x1x128xi32, #tpu.memory_space<vmem>> -> memref<128xi32, #tpu.memory_space<vmem>>
      %dma_start3A_487 = arith.constant 0 : i32
      %dma_start3A_488 = arith.constant 0 : i32
      %dma_start3A_489 = tpu.memref_slice %arg2[%dma_start3A_487, %dma_start3A_488] : memref<1000000x64xf32, #tpu.memory_space<hbm>> -> memref<1000000x64xf32, #tpu.memory_space<hbm>>
      tpu.enqueue_indirect_dma source(%dma_start3A_489 : memref<1000000x64xf32, #tpu.memory_space<hbm>>) target(%dma_start3A_483 : memref<128x64xf32, #tpu.memory_space<vmem>>) offsets(%dma_start3A_486 : memref<128xi32, #tpu.memory_space<vmem>>) semaphore(%arg8 : memref<!tpu.dma_semaphore, #tpu.memory_space<semaphore_mem>>)
      %dma_start3A_490 = arith.constant 1 : i32
      %dma_start3A_491 = arith.constant 0 : i32
      %dma_start3A_492 = arith.constant 1 : i32
      %dma_start3A_493 = arith.constant 0 : i32
      %dma_start3A_494 = arith.constant 128 : i32
      %dma_start3A_495 = arith.constant 0 : i32
      %dma_start3A_496 = tpu.memref_slice %arg6[%dma_start3A_492, %dma_start3A_493, %dma_start3A_494, %dma_start3A_495] : memref<2x4x200x64xf32, #tpu.memory_space<vmem>> -> memref<1x1x72x64xf32, #tpu.memory_space<vmem>>
      %dma_start3A_497 = tpu.memref_squeeze %dma_start3A_496 : memref<1x1x72x64xf32, #tpu.memory_space<vmem>> -> memref<72x64xf32, #tpu.memory_space<vmem>>
      %dma_start3A_498 = arith.constant 128 : i32
      %dma_start3A_499 = tpu.memref_slice %arg5[%dma_start3A_490, %dma_start3A_491, %dma_start3A_498] : memref<2x4x200xi32, #tpu.memory_space<vmem>> -> memref<1x1x72xi32, #tpu.memory_space<vmem>>
      %dma_start3A_500 = tpu.memref_squeeze %dma_start3A_499 : memref<1x1x72xi32, #tpu.memory_space<vmem>> -> memref<72xi32, #tpu.memory_space<vmem>>
      %dma_start3A_501 = arith.constant 0 : i32
      %dma_start3A_502 = arith.constant 0 : i32
      %dma_start3A_503 = tpu.memref_slice %arg2[%dma_start3A_501, %dma_start3A_502] : memref<1000000x64xf32, #tpu.memory_space<hbm>> -> memref<1000000x64xf32, #tpu.memory_space<hbm>>
      tpu.enqueue_indirect_dma source(%dma_start3A_503 : memref<1000000x64xf32, #tpu.memory_space<hbm>>) target(%dma_start3A_497 : memref<72x64xf32, #tpu.memory_space<vmem>>) offsets(%dma_start3A_500 : memref<72xi32, #tpu.memory_space<vmem>>) semaphore(%arg8 : memref<!tpu.dma_semaphore, #tpu.memory_space<semaphore_mem>>)
      %dma_start3A_504 = arith.constant 1 : i32
      %dma_start3A_505 = arith.constant 1 : i32
      %dma_start3A_506 = arith.constant 1 : i32
      %dma_start3A_507 = arith.constant 1 : i32
      %dma_start3A_508 = arith.constant 0 : i32
      %dma_start3A_509 = arith.constant 0 : i32
      %dma_start3A_510 = tpu.memref_slice %arg6[%dma_start3A_506, %dma_start3A_507, %dma_start3A_508, %dma_start3A_509] : memref<2x4x200x64xf32, #tpu.memory_space<vmem>> -> memref<1x1x128x64xf32, #tpu.memory_space<vmem>>
      %dma_start3A_511 = tpu.memref_squeeze %dma_start3A_510 : memref<1x1x128x64xf32, #tpu.memory_space<vmem>> -> memref<128x64xf32, #tpu.memory_space<vmem>>
      %dma_start3A_512 = arith.constant 0 : i32
      %dma_start3A_513 = tpu.memref_slice %arg5[%dma_start3A_504, %dma_start3A_505, %dma_start3A_512] : memref<2x4x200xi32, #tpu.memory_space<vmem>> -> memref<1x1x128xi32, #tpu.memory_space<vmem>>
      %dma_start3A_514 = tpu.memref_squeeze %dma_start3A_513 : memref<1x1x128xi32, #tpu.memory_space<vmem>> -> memref<128xi32, #tpu.memory_space<vmem>>
      %dma_start3A_515 = arith.constant 0 : i32
      %dma_start3A_516 = arith.constant 0 : i32
      %dma_start3A_517 = tpu.memref_slice %arg2[%dma_start3A_515, %dma_start3A_516] : memref<1000000x64xf32, #tpu.memory_space<hbm>> -> memref<1000000x64xf32, #tpu.memory_space<hbm>>
      tpu.enqueue_indirect_dma source(%dma_start3A_517 : memref<1000000x64xf32, #tpu.memory_space<hbm>>) target(%dma_start3A_511 : memref<128x64xf32, #tpu.memory_space<vmem>>) offsets(%dma_start3A_514 : memref<128xi32, #tpu.memory_space<vmem>>) semaphore(%arg8 : memref<!tpu.dma_semaphore, #tpu.memory_space<semaphore_mem>>)
      %dma_start3A_518 = arith.constant 1 : i32
      %dma_start3A_519 = arith.constant 1 : i32
      %dma_start3A_520 = arith.constant 1 : i32
      %dma_start3A_521 = arith.constant 1 : i32
      %dma_start3A_522 = arith.constant 128 : i32
      %dma_start3A_523 = arith.constant 0 : i32
      %dma_start3A_524 = tpu.memref_slice %arg6[%dma_start3A_520, %dma_start3A_521, %dma_start3A_522, %dma_start3A_523] : memref<2x4x200x64xf32, #tpu.memory_space<vmem>> -> memref<1x1x72x64xf32, #tpu.memory_space<vmem>>
      %dma_start3A_525 = tpu.memref_squeeze %dma_start3A_524 : memref<1x1x72x64xf32, #tpu.memory_space<vmem>> -> memref<72x64xf32, #tpu.memory_space<vmem>>
      %dma_start3A_526 = arith.constant 128 : i32
      %dma_start3A_527 = tpu.memref_slice %arg5[%dma_start3A_518, %dma_start3A_519, %dma_start3A_526] : memref<2x4x200xi32, #tpu.memory_space<vmem>> -> memref<1x1x72xi32, #tpu.memory_space<vmem>>
      %dma_start3A_528 = tpu.memref_squeeze %dma_start3A_527 : memref<1x1x72xi32, #tpu.memory_space<vmem>> -> memref<72xi32, #tpu.memory_space<vmem>>
      %dma_start3A_529 = arith.constant 0 : i32
      %dma_start3A_530 = arith.constant 0 : i32
      %dma_start3A_531 = tpu.memref_slice %arg2[%dma_start3A_529, %dma_start3A_530] : memref<1000000x64xf32, #tpu.memory_space<hbm>> -> memref<1000000x64xf32, #tpu.memory_space<hbm>>
      tpu.enqueue_indirect_dma source(%dma_start3A_531 : memref<1000000x64xf32, #tpu.memory_space<hbm>>) target(%dma_start3A_525 : memref<72x64xf32, #tpu.memory_space<vmem>>) offsets(%dma_start3A_528 : memref<72xi32, #tpu.memory_space<vmem>>) semaphore(%arg8 : memref<!tpu.dma_semaphore, #tpu.memory_space<semaphore_mem>>)
      %dma_start3A_532 = arith.constant 1 : i32
      %dma_start3A_533 = arith.constant 2 : i32
      %dma_start3A_534 = arith.constant 1 : i32
      %dma_start3A_535 = arith.constant 2 : i32
      %dma_start3A_536 = arith.constant 0 : i32
      %dma_start3A_537 = arith.constant 0 : i32
      %dma_start3A_538 = tpu.memref_slice %arg6[%dma_start3A_534, %dma_start3A_535, %dma_start3A_536, %dma_start3A_537] : memref<2x4x200x64xf32, #tpu.memory_space<vmem>> -> memref<1x1x128x64xf32, #tpu.memory_space<vmem>>
      %dma_start3A_539 = tpu.memref_squeeze %dma_start3A_538 : memref<1x1x128x64xf32, #tpu.memory_space<vmem>> -> memref<128x64xf32, #tpu.memory_space<vmem>>
      %dma_start3A_540 = arith.constant 0 : i32
      %dma_start3A_541 = tpu.memref_slice %arg5[%dma_start3A_532, %dma_start3A_533, %dma_start3A_540] : memref<2x4x200xi32, #tpu.memory_space<vmem>> -> memref<1x1x128xi32, #tpu.memory_space<vmem>>
      %dma_start3A_542 = tpu.memref_squeeze %dma_start3A_541 : memref<1x1x128xi32, #tpu.memory_space<vmem>> -> memref<128xi32, #tpu.memory_space<vmem>>
      %dma_start3A_543 = arith.constant 0 : i32
      %dma_start3A_544 = arith.constant 0 : i32
      %dma_start3A_545 = tpu.memref_slice %arg2[%dma_start3A_543, %dma_start3A_544] : memref<1000000x64xf32, #tpu.memory_space<hbm>> -> memref<1000000x64xf32, #tpu.memory_space<hbm>>
      tpu.enqueue_indirect_dma source(%dma_start3A_545 : memref<1000000x64xf32, #tpu.memory_space<hbm>>) target(%dma_start3A_539 : memref<128x64xf32, #tpu.memory_space<vmem>>) offsets(%dma_start3A_542 : memref<128xi32, #tpu.memory_space<vmem>>) semaphore(%arg8 : memref<!tpu.dma_semaphore, #tpu.memory_space<semaphore_mem>>)
      %dma_start3A_546 = arith.constant 1 : i32
      %dma_start3A_547 = arith.constant 2 : i32
      %dma_start3A_548 = arith.constant 1 : i32
      %dma_start3A_549 = arith.constant 2 : i32
      %dma_start3A_550 = arith.constant 128 : i32
      %dma_start3A_551 = arith.constant 0 : i32
      %dma_start3A_552 = tpu.memref_slice %arg6[%dma_start3A_548, %dma_start3A_549, %dma_start3A_550, %dma_start3A_551] : memref<2x4x200x64xf32, #tpu.memory_space<vmem>> -> memref<1x1x72x64xf32, #tpu.memory_space<vmem>>
      %dma_start3A_553 = tpu.memref_squeeze %dma_start3A_552 : memref<1x1x72x64xf32, #tpu.memory_space<vmem>> -> memref<72x64xf32, #tpu.memory_space<vmem>>
      %dma_start3A_554 = arith.constant 128 : i32
      %dma_start3A_555 = tpu.memref_slice %arg5[%dma_start3A_546, %dma_start3A_547, %dma_start3A_554] : memref<2x4x200xi32, #tpu.memory_space<vmem>> -> memref<1x1x72xi32, #tpu.memory_space<vmem>>
      %dma_start3A_556 = tpu.memref_squeeze %dma_start3A_555 : memref<1x1x72xi32, #tpu.memory_space<vmem>> -> memref<72xi32, #tpu.memory_space<vmem>>
      %dma_start3A_557 = arith.constant 0 : i32
      %dma_start3A_558 = arith.constant 0 : i32
      %dma_start3A_559 = tpu.memref_slice %arg2[%dma_start3A_557, %dma_start3A_558] : memref<1000000x64xf32, #tpu.memory_space<hbm>> -> memref<1000000x64xf32, #tpu.memory_space<hbm>>
      tpu.enqueue_indirect_dma source(%dma_start3A_559 : memref<1000000x64xf32, #tpu.memory_space<hbm>>) target(%dma_start3A_553 : memref<72x64xf32, #tpu.memory_space<vmem>>) offsets(%dma_start3A_556 : memref<72xi32, #tpu.memory_space<vmem>>) semaphore(%arg8 : memref<!tpu.dma_semaphore, #tpu.memory_space<semaphore_mem>>)
      %dma_start3A_560 = arith.constant 1 : i32
      %dma_start3A_561 = arith.constant 3 : i32
      %dma_start3A_562 = arith.constant 1 : i32
      %dma_start3A_563 = arith.constant 3 : i32
      %dma_start3A_564 = arith.constant 0 : i32
      %dma_start3A_565 = arith.constant 0 : i32
      %dma_start3A_566 = tpu.memref_slice %arg6[%dma_start3A_562, %dma_start3A_563, %dma_start3A_564, %dma_start3A_565] : memref<2x4x200x64xf32, #tpu.memory_space<vmem>> -> memref<1x1x128x64xf32, #tpu.memory_space<vmem>>
      %dma_start3A_567 = tpu.memref_squeeze %dma_start3A_566 : memref<1x1x128x64xf32, #tpu.memory_space<vmem>> -> memref<128x64xf32, #tpu.memory_space<vmem>>
      %dma_start3A_568 = arith.constant 0 : i32
      %dma_start3A_569 = tpu.memref_slice %arg5[%dma_start3A_560, %dma_start3A_561, %dma_start3A_568] : memref<2x4x200xi32, #tpu.memory_space<vmem>> -> memref<1x1x128xi32, #tpu.memory_space<vmem>>
      %dma_start3A_570 = tpu.memref_squeeze %dma_start3A_569 : memref<1x1x128xi32, #tpu.memory_space<vmem>> -> memref<128xi32, #tpu.memory_space<vmem>>
      %dma_start3A_571 = arith.constant 0 : i32
      %dma_start3A_572 = arith.constant 0 : i32
      %dma_start3A_573 = tpu.memref_slice %arg2[%dma_start3A_571, %dma_start3A_572] : memref<1000000x64xf32, #tpu.memory_space<hbm>> -> memref<1000000x64xf32, #tpu.memory_space<hbm>>
      tpu.enqueue_indirect_dma source(%dma_start3A_573 : memref<1000000x64xf32, #tpu.memory_space<hbm>>) target(%dma_start3A_567 : memref<128x64xf32, #tpu.memory_space<vmem>>) offsets(%dma_start3A_570 : memref<128xi32, #tpu.memory_space<vmem>>) semaphore(%arg8 : memref<!tpu.dma_semaphore, #tpu.memory_space<semaphore_mem>>)
      %dma_start3A_574 = arith.constant 1 : i32
      %dma_start3A_575 = arith.constant 3 : i32
      %dma_start3A_576 = arith.constant 1 : i32
      %dma_start3A_577 = arith.constant 3 : i32
      %dma_start3A_578 = arith.constant 128 : i32
      %dma_start3A_579 = arith.constant 0 : i32
      %dma_start3A_580 = tpu.memref_slice %arg6[%dma_start3A_576, %dma_start3A_577, %dma_start3A_578, %dma_start3A_579] : memref<2x4x200x64xf32, #tpu.memory_space<vmem>> -> memref<1x1x72x64xf32, #tpu.memory_space<vmem>>
      %dma_start3A_581 = tpu.memref_squeeze %dma_start3A_580 : memref<1x1x72x64xf32, #tpu.memory_space<vmem>> -> memref<72x64xf32, #tpu.memory_space<vmem>>
      %dma_start3A_582 = arith.constant 128 : i32
      %dma_start3A_583 = tpu.memref_slice %arg5[%dma_start3A_574, %dma_start3A_575, %dma_start3A_582] : memref<2x4x200xi32, #tpu.memory_space<vmem>> -> memref<1x1x72xi32, #tpu.memory_space<vmem>>
      %dma_start3A_584 = tpu.memref_squeeze %dma_start3A_583 : memref<1x1x72xi32, #tpu.memory_space<vmem>> -> memref<72xi32, #tpu.memory_space<vmem>>
      %dma_start3A_585 = arith.constant 0 : i32
      %dma_start3A_586 = arith.constant 0 : i32
      %dma_start3A_587 = tpu.memref_slice %arg2[%dma_start3A_585, %dma_start3A_586] : memref<1000000x64xf32, #tpu.memory_space<hbm>> -> memref<1000000x64xf32, #tpu.memory_space<hbm>>
      tpu.enqueue_indirect_dma source(%dma_start3A_587 : memref<1000000x64xf32, #tpu.memory_space<hbm>>) target(%dma_start3A_581 : memref<72x64xf32, #tpu.memory_space<vmem>>) offsets(%dma_start3A_584 : memref<72xi32, #tpu.memory_space<vmem>>) semaphore(%arg8 : memref<!tpu.dma_semaphore, #tpu.memory_space<semaphore_mem>>)
      %dma_wait3A_588 = arith.constant 0 : i32
      %dma_wait3A_589 = arith.constant 0 : i32
      %dma_wait3A_590 = arith.constant 0 : i32
      %dma_wait3A_591 = arith.constant 0 : i32
      %dma_wait3A_592 = arith.constant 0 : i32
      %dma_wait3A_593 = arith.constant 0 : i32
      %dma_wait3A_594 = tpu.memref_slice %arg6[%dma_wait3A_590, %dma_wait3A_591, %dma_wait3A_592, %dma_wait3A_593] : memref<2x4x200x64xf32, #tpu.memory_space<vmem>> -> memref<1x1x128x64xf32, #tpu.memory_space<vmem>>
      %dma_wait3A_595 = tpu.memref_squeeze %dma_wait3A_594 : memref<1x1x128x64xf32, #tpu.memory_space<vmem>> -> memref<128x64xf32, #tpu.memory_space<vmem>>
      %dma_wait3A_596 = arith.constant 0 : i32
      %dma_wait3A_597 = tpu.memref_slice %arg5[%dma_wait3A_588, %dma_wait3A_589, %dma_wait3A_596] : memref<2x4x200xi32, #tpu.memory_space<vmem>> -> memref<1x1x128xi32, #tpu.memory_space<vmem>>
      %dma_wait3A_598 = tpu.memref_squeeze %dma_wait3A_597 : memref<1x1x128xi32, #tpu.memory_space<vmem>> -> memref<128xi32, #tpu.memory_space<vmem>>
      %dma_wait3A_599 = arith.constant 0 : i32
      %dma_wait3A_600 = arith.constant 0 : i32
      %dma_wait3A_601 = tpu.memref_slice %arg2[%dma_wait3A_599, %dma_wait3A_600] : memref<1000000x64xf32, #tpu.memory_space<hbm>> -> memref<1000000x64xf32, #tpu.memory_space<hbm>>
      tpu.wait_indirect_dma semaphore(%arg7 : memref<!tpu.dma_semaphore, #tpu.memory_space<semaphore_mem>>) src(%dma_wait3A_601 : memref<1000000x64xf32, #tpu.memory_space<hbm>>) dst(%dma_wait3A_595 : memref<128x64xf32, #tpu.memory_space<vmem>>)
      %dma_wait3A_602 = arith.constant 0 : i32
      %dma_wait3A_603 = arith.constant 0 : i32
      %dma_wait3A_604 = arith.constant 0 : i32
      %dma_wait3A_605 = arith.constant 0 : i32
      %dma_wait3A_606 = arith.constant 128 : i32
      %dma_wait3A_607 = arith.constant 0 : i32
      %dma_wait3A_608 = tpu.memref_slice %arg6[%dma_wait3A_604, %dma_wait3A_605, %dma_wait3A_606, %dma_wait3A_607] : memref<2x4x200x64xf32, #tpu.memory_space<vmem>> -> memref<1x1x72x64xf32, #tpu.memory_space<vmem>>
      %dma_wait3A_609 = tpu.memref_squeeze %dma_wait3A_608 : memref<1x1x72x64xf32, #tpu.memory_space<vmem>> -> memref<72x64xf32, #tpu.memory_space<vmem>>
      %dma_wait3A_610 = arith.constant 128 : i32
      %dma_wait3A_611 = tpu.memref_slice %arg5[%dma_wait3A_602, %dma_wait3A_603, %dma_wait3A_610] : memref<2x4x200xi32, #tpu.memory_space<vmem>> -> memref<1x1x72xi32, #tpu.memory_space<vmem>>
      %dma_wait3A_612 = tpu.memref_squeeze %dma_wait3A_611 : memref<1x1x72xi32, #tpu.memory_space<vmem>> -> memref<72xi32, #tpu.memory_space<vmem>>
      %dma_wait3A_613 = arith.constant 0 : i32
      %dma_wait3A_614 = arith.constant 0 : i32
      %dma_wait3A_615 = tpu.memref_slice %arg2[%dma_wait3A_613, %dma_wait3A_614] : memref<1000000x64xf32, #tpu.memory_space<hbm>> -> memref<1000000x64xf32, #tpu.memory_space<hbm>>
      tpu.wait_indirect_dma semaphore(%arg7 : memref<!tpu.dma_semaphore, #tpu.memory_space<semaphore_mem>>) src(%dma_wait3A_615 : memref<1000000x64xf32, #tpu.memory_space<hbm>>) dst(%dma_wait3A_609 : memref<72x64xf32, #tpu.memory_space<vmem>>)
      %dma_wait3A_616 = arith.constant 0 : i32
      %dma_wait3A_617 = arith.constant 1 : i32
      %dma_wait3A_618 = arith.constant 0 : i32
      %dma_wait3A_619 = arith.constant 1 : i32
      %dma_wait3A_620 = arith.constant 0 : i32
      %dma_wait3A_621 = arith.constant 0 : i32
      %dma_wait3A_622 = tpu.memref_slice %arg6[%dma_wait3A_618, %dma_wait3A_619, %dma_wait3A_620, %dma_wait3A_621] : memref<2x4x200x64xf32, #tpu.memory_space<vmem>> -> memref<1x1x128x64xf32, #tpu.memory_space<vmem>>
      %dma_wait3A_623 = tpu.memref_squeeze %dma_wait3A_622 : memref<1x1x128x64xf32, #tpu.memory_space<vmem>> -> memref<128x64xf32, #tpu.memory_space<vmem>>
      %dma_wait3A_624 = arith.constant 0 : i32
      %dma_wait3A_625 = tpu.memref_slice %arg5[%dma_wait3A_616, %dma_wait3A_617, %dma_wait3A_624] : memref<2x4x200xi32, #tpu.memory_space<vmem>> -> memref<1x1x128xi32, #tpu.memory_space<vmem>>
      %dma_wait3A_626 = tpu.memref_squeeze %dma_wait3A_625 : memref<1x1x128xi32, #tpu.memory_space<vmem>> -> memref<128xi32, #tpu.memory_space<vmem>>
      %dma_wait3A_627 = arith.constant 0 : i32
      %dma_wait3A_628 = arith.constant 0 : i32
      %dma_wait3A_629 = tpu.memref_slice %arg2[%dma_wait3A_627, %dma_wait3A_628] : memref<1000000x64xf32, #tpu.memory_space<hbm>> -> memref<1000000x64xf32, #tpu.memory_space<hbm>>
      tpu.wait_indirect_dma semaphore(%arg7 : memref<!tpu.dma_semaphore, #tpu.memory_space<semaphore_mem>>) src(%dma_wait3A_629 : memref<1000000x64xf32, #tpu.memory_space<hbm>>) dst(%dma_wait3A_623 : memref<128x64xf32, #tpu.memory_space<vmem>>)
      %dma_wait3A_630 = arith.constant 0 : i32
      %dma_wait3A_631 = arith.constant 1 : i32
      %dma_wait3A_632 = arith.constant 0 : i32
      %dma_wait3A_633 = arith.constant 1 : i32
      %dma_wait3A_634 = arith.constant 128 : i32
      %dma_wait3A_635 = arith.constant 0 : i32
      %dma_wait3A_636 = tpu.memref_slice %arg6[%dma_wait3A_632, %dma_wait3A_633, %dma_wait3A_634, %dma_wait3A_635] : memref<2x4x200x64xf32, #tpu.memory_space<vmem>> -> memref<1x1x72x64xf32, #tpu.memory_space<vmem>>
      %dma_wait3A_637 = tpu.memref_squeeze %dma_wait3A_636 : memref<1x1x72x64xf32, #tpu.memory_space<vmem>> -> memref<72x64xf32, #tpu.memory_space<vmem>>
      %dma_wait3A_638 = arith.constant 128 : i32
      %dma_wait3A_639 = tpu.memref_slice %arg5[%dma_wait3A_630, %dma_wait3A_631, %dma_wait3A_638] : memref<2x4x200xi32, #tpu.memory_space<vmem>> -> memref<1x1x72xi32, #tpu.memory_space<vmem>>
      %dma_wait3A_640 = tpu.memref_squeeze %dma_wait3A_639 : memref<1x1x72xi32, #tpu.memory_space<vmem>> -> memref<72xi32, #tpu.memory_space<vmem>>
      %dma_wait3A_641 = arith.constant 0 : i32
      %dma_wait3A_642 = arith.constant 0 : i32
      %dma_wait3A_643 = tpu.memref_slice %arg2[%dma_wait3A_641, %dma_wait3A_642] : memref<1000000x64xf32, #tpu.memory_space<hbm>> -> memref<1000000x64xf32, #tpu.memory_space<hbm>>
      tpu.wait_indirect_dma semaphore(%arg7 : memref<!tpu.dma_semaphore, #tpu.memory_space<semaphore_mem>>) src(%dma_wait3A_643 : memref<1000000x64xf32, #tpu.memory_space<hbm>>) dst(%dma_wait3A_637 : memref<72x64xf32, #tpu.memory_space<vmem>>)
      %dma_wait3A_644 = arith.constant 0 : i32
      %dma_wait3A_645 = arith.constant 2 : i32
      %dma_wait3A_646 = arith.constant 0 : i32
      %dma_wait3A_647 = arith.constant 2 : i32
      %dma_wait3A_648 = arith.constant 0 : i32
      %dma_wait3A_649 = arith.constant 0 : i32
      %dma_wait3A_650 = tpu.memref_slice %arg6[%dma_wait3A_646, %dma_wait3A_647, %dma_wait3A_648, %dma_wait3A_649] : memref<2x4x200x64xf32, #tpu.memory_space<vmem>> -> memref<1x1x128x64xf32, #tpu.memory_space<vmem>>
      %dma_wait3A_651 = tpu.memref_squeeze %dma_wait3A_650 : memref<1x1x128x64xf32, #tpu.memory_space<vmem>> -> memref<128x64xf32, #tpu.memory_space<vmem>>
      %dma_wait3A_652 = arith.constant 0 : i32
      %dma_wait3A_653 = tpu.memref_slice %arg5[%dma_wait3A_644, %dma_wait3A_645, %dma_wait3A_652] : memref<2x4x200xi32, #tpu.memory_space<vmem>> -> memref<1x1x128xi32, #tpu.memory_space<vmem>>
      %dma_wait3A_654 = tpu.memref_squeeze %dma_wait3A_653 : memref<1x1x128xi32, #tpu.memory_space<vmem>> -> memref<128xi32, #tpu.memory_space<vmem>>
      %dma_wait3A_655 = arith.constant 0 : i32
      %dma_wait3A_656 = arith.constant 0 : i32
      %dma_wait3A_657 = tpu.memref_slice %arg2[%dma_wait3A_655, %dma_wait3A_656] : memref<1000000x64xf32, #tpu.memory_space<hbm>> -> memref<1000000x64xf32, #tpu.memory_space<hbm>>
      tpu.wait_indirect_dma semaphore(%arg7 : memref<!tpu.dma_semaphore, #tpu.memory_space<semaphore_mem>>) src(%dma_wait3A_657 : memref<1000000x64xf32, #tpu.memory_space<hbm>>) dst(%dma_wait3A_651 : memref<128x64xf32, #tpu.memory_space<vmem>>)
      %dma_wait3A_658 = arith.constant 0 : i32
      %dma_wait3A_659 = arith.constant 2 : i32
      %dma_wait3A_660 = arith.constant 0 : i32
      %dma_wait3A_661 = arith.constant 2 : i32
      %dma_wait3A_662 = arith.constant 128 : i32
      %dma_wait3A_663 = arith.constant 0 : i32
      %dma_wait3A_664 = tpu.memref_slice %arg6[%dma_wait3A_660, %dma_wait3A_661, %dma_wait3A_662, %dma_wait3A_663] : memref<2x4x200x64xf32, #tpu.memory_space<vmem>> -> memref<1x1x72x64xf32, #tpu.memory_space<vmem>>
      %dma_wait3A_665 = tpu.memref_squeeze %dma_wait3A_664 : memref<1x1x72x64xf32, #tpu.memory_space<vmem>> -> memref<72x64xf32, #tpu.memory_space<vmem>>
      %dma_wait3A_666 = arith.constant 128 : i32
      %dma_wait3A_667 = tpu.memref_slice %arg5[%dma_wait3A_658, %dma_wait3A_659, %dma_wait3A_666] : memref<2x4x200xi32, #tpu.memory_space<vmem>> -> memref<1x1x72xi32, #tpu.memory_space<vmem>>
      %dma_wait3A_668 = tpu.memref_squeeze %dma_wait3A_667 : memref<1x1x72xi32, #tpu.memory_space<vmem>> -> memref<72xi32, #tpu.memory_space<vmem>>
      %dma_wait3A_669 = arith.constant 0 : i32
      %dma_wait3A_670 = arith.constant 0 : i32
      %dma_wait3A_671 = tpu.memref_slice %arg2[%dma_wait3A_669, %dma_wait3A_670] : memref<1000000x64xf32, #tpu.memory_space<hbm>> -> memref<1000000x64xf32, #tpu.memory_space<hbm>>
      tpu.wait_indirect_dma semaphore(%arg7 : memref<!tpu.dma_semaphore, #tpu.memory_space<semaphore_mem>>) src(%dma_wait3A_671 : memref<1000000x64xf32, #tpu.memory_space<hbm>>) dst(%dma_wait3A_665 : memref<72x64xf32, #tpu.memory_space<vmem>>)
      %dma_wait3A_672 = arith.constant 0 : i32
      %dma_wait3A_673 = arith.constant 3 : i32
      %dma_wait3A_674 = arith.constant 0 : i32
      %dma_wait3A_675 = arith.constant 3 : i32
      %dma_wait3A_676 = arith.constant 0 : i32
      %dma_wait3A_677 = arith.constant 0 : i32
      %dma_wait3A_678 = tpu.memref_slice %arg6[%dma_wait3A_674, %dma_wait3A_675, %dma_wait3A_676, %dma_wait3A_677] : memref<2x4x200x64xf32, #tpu.memory_space<vmem>> -> memref<1x1x128x64xf32, #tpu.memory_space<vmem>>
      %dma_wait3A_679 = tpu.memref_squeeze %dma_wait3A_678 : memref<1x1x128x64xf32, #tpu.memory_space<vmem>> -> memref<128x64xf32, #tpu.memory_space<vmem>>
      %dma_wait3A_680 = arith.constant 0 : i32
      %dma_wait3A_681 = tpu.memref_slice %arg5[%dma_wait3A_672, %dma_wait3A_673, %dma_wait3A_680] : memref<2x4x200xi32, #tpu.memory_space<vmem>> -> memref<1x1x128xi32, #tpu.memory_space<vmem>>
      %dma_wait3A_682 = tpu.memref_squeeze %dma_wait3A_681 : memref<1x1x128xi32, #tpu.memory_space<vmem>> -> memref<128xi32, #tpu.memory_space<vmem>>
      %dma_wait3A_683 = arith.constant 0 : i32
      %dma_wait3A_684 = arith.constant 0 : i32
      %dma_wait3A_685 = tpu.memref_slice %arg2[%dma_wait3A_683, %dma_wait3A_684] : memref<1000000x64xf32, #tpu.memory_space<hbm>> -> memref<1000000x64xf32, #tpu.memory_space<hbm>>
      tpu.wait_indirect_dma semaphore(%arg7 : memref<!tpu.dma_semaphore, #tpu.memory_space<semaphore_mem>>) src(%dma_wait3A_685 : memref<1000000x64xf32, #tpu.memory_space<hbm>>) dst(%dma_wait3A_679 : memref<128x64xf32, #tpu.memory_space<vmem>>)
      %dma_wait3A_686 = arith.constant 0 : i32
      %dma_wait3A_687 = arith.constant 3 : i32
      %dma_wait3A_688 = arith.constant 0 : i32
      %dma_wait3A_689 = arith.constant 3 : i32
      %dma_wait3A_690 = arith.constant 128 : i32
      %dma_wait3A_691 = arith.constant 0 : i32
      %dma_wait3A_692 = tpu.memref_slice %arg6[%dma_wait3A_688, %dma_wait3A_689, %dma_wait3A_690, %dma_wait3A_691] : memref<2x4x200x64xf32, #tpu.memory_space<vmem>> -> memref<1x1x72x64xf32, #tpu.memory_space<vmem>>
      %dma_wait3A_693 = tpu.memref_squeeze %dma_wait3A_692 : memref<1x1x72x64xf32, #tpu.memory_space<vmem>> -> memref<72x64xf32, #tpu.memory_space<vmem>>
      %dma_wait3A_694 = arith.constant 128 : i32
      %dma_wait3A_695 = tpu.memref_slice %arg5[%dma_wait3A_686, %dma_wait3A_687, %dma_wait3A_694] : memref<2x4x200xi32, #tpu.memory_space<vmem>> -> memref<1x1x72xi32, #tpu.memory_space<vmem>>
      %dma_wait3A_696 = tpu.memref_squeeze %dma_wait3A_695 : memref<1x1x72xi32, #tpu.memory_space<vmem>> -> memref<72xi32, #tpu.memory_space<vmem>>
      %dma_wait3A_697 = arith.constant 0 : i32
      %dma_wait3A_698 = arith.constant 0 : i32
      %dma_wait3A_699 = tpu.memref_slice %arg2[%dma_wait3A_697, %dma_wait3A_698] : memref<1000000x64xf32, #tpu.memory_space<hbm>> -> memref<1000000x64xf32, #tpu.memory_space<hbm>>
      tpu.wait_indirect_dma semaphore(%arg7 : memref<!tpu.dma_semaphore, #tpu.memory_space<semaphore_mem>>) src(%dma_wait3A_699 : memref<1000000x64xf32, #tpu.memory_space<hbm>>) dst(%dma_wait3A_693 : memref<72x64xf32, #tpu.memory_space<vmem>>)
      %mul3A_700 = arith.constant 4 : i32
      %mul3A_701 = arith.muli %add3A_469, %mul3A_700 : i32
      %add3A_702 = arith.addi %mul3A_2, %mul3A_701 : i32
      %run_scoped3A_703 = arith.constant 0 : i32
      "tpu.region"() ({
        %run_scoped3A_942 = tpu.sem_alloc : memref<!tpu.dma_semaphore, #tpu.memory_space<semaphore_mem>>
        %dma_start3A_943 = arith.constant 0 : i32
        %dma_start3A_944 = arith.constant 0 : i32
        %dma_start3A_945 = arith.constant 0 : i32
        %dma_start3A_946 = tpu.memref_slice %arg6[%run_scoped3A_703, %dma_start3A_943, %dma_start3A_944, %dma_start3A_945] : memref<2x4x200x64xf32, #tpu.memory_space<vmem>> -> memref<1x4x200x64xf32, #tpu.memory_space<vmem>>
        %dma_start3A_947 = tpu.memref_squeeze %dma_start3A_946 : memref<1x4x200x64xf32, #tpu.memory_space<vmem>> -> memref<4x200x64xf32, #tpu.memory_space<vmem>>
        %dma_start3A_948 = arith.constant 0 : i32
        %dma_start3A_949 = arith.constant 0 : i32
        %dma_start3A_950 = tpu.memref_slice %arg4[%add3A_702, %dma_start3A_948, %dma_start3A_949] : memref<4096x200x64xf32, #tpu.memory_space<hbm>> -> memref<4x200x64xf32, #tpu.memory_space<hbm>>
        %dma_start3A_951 = arith.constant 0 : i32
        %dma_start3A_952 = arith.constant 0 : i32
        %dma_start3A_953 = tpu.memref_slice %arg4[%add3A_702, %dma_start3A_951, %dma_start3A_952] : memref<4096x200x64xf32, #tpu.memory_space<hbm>> -> memref<4x200x64xf32, #tpu.memory_space<hbm>>
        %dma_start3A_954 = arith.constant 0 : i32
        %dma_start3A_955 = arith.constant 0 : i32
        %dma_start3A_956 = arith.constant 0 : i32
        %dma_start3A_957 = tpu.memref_slice %arg6[%run_scoped3A_703, %dma_start3A_954, %dma_start3A_955, %dma_start3A_956] : memref<2x4x200x64xf32, #tpu.memory_space<vmem>> -> memref<1x4x200x64xf32, #tpu.memory_space<vmem>>
        %dma_start3A_958 = tpu.memref_squeeze %dma_start3A_957 : memref<1x4x200x64xf32, #tpu.memory_space<vmem>> -> memref<4x200x64xf32, #tpu.memory_space<vmem>>
        tpu.enqueue_dma source(%dma_start3A_958 : memref<4x200x64xf32, #tpu.memory_space<vmem>>) target(%dma_start3A_953 : memref<4x200x64xf32, #tpu.memory_space<hbm>>) target_semaphore(%run_scoped3A_942 : memref<!tpu.dma_semaphore, #tpu.memory_space<semaphore_mem>>)
        %dma_wait3A_959 = arith.constant 0 : i32
        %dma_wait3A_960 = arith.constant 0 : i32
        %dma_wait3A_961 = arith.constant 0 : i32
        %dma_wait3A_962 = tpu.memref_slice %arg6[%run_scoped3A_703, %dma_wait3A_959, %dma_wait3A_960, %dma_wait3A_961] : memref<2x4x200x64xf32, #tpu.memory_space<vmem>> -> memref<1x4x200x64xf32, #tpu.memory_space<vmem>>
        %dma_wait3A_963 = tpu.memref_squeeze %dma_wait3A_962 : memref<1x4x200x64xf32, #tpu.memory_space<vmem>> -> memref<4x200x64xf32, #tpu.memory_space<vmem>>
        %dma_wait3A_964 = arith.constant 0 : i32
        %dma_wait3A_965 = arith.constant 0 : i32
        %dma_wait3A_966 = tpu.memref_slice %arg4[%add3A_702, %dma_wait3A_964, %dma_wait3A_965] : memref<4096x200x64xf32, #tpu.memory_space<hbm>> -> memref<4x200x64xf32, #tpu.memory_space<hbm>>
        %dma_wait3A_967 = arith.constant 0 : i32
        %dma_wait3A_968 = arith.constant 0 : i32
        %dma_wait3A_969 = tpu.memref_slice %arg4[%add3A_702, %dma_wait3A_967, %dma_wait3A_968] : memref<4096x200x64xf32, #tpu.memory_space<hbm>> -> memref<4x200x64xf32, #tpu.memory_space<hbm>>
        %dma_wait3A_970 = arith.constant 0 : i32
        %dma_wait3A_971 = arith.constant 0 : i32
        %dma_wait3A_972 = arith.constant 0 : i32
        %dma_wait3A_973 = tpu.memref_slice %arg6[%run_scoped3A_703, %dma_wait3A_970, %dma_wait3A_971, %dma_wait3A_972] : memref<2x4x200x64xf32, #tpu.memory_space<vmem>> -> memref<1x4x200x64xf32, #tpu.memory_space<vmem>>
        %dma_wait3A_974 = tpu.memref_squeeze %dma_wait3A_973 : memref<1x4x200x64xf32, #tpu.memory_space<vmem>> -> memref<4x200x64xf32, #tpu.memory_space<vmem>>
        tpu.wait_dma2 semaphore(%run_scoped3A_942 : memref<!tpu.dma_semaphore, #tpu.memory_space<semaphore_mem>>) src(%dma_wait3A_974 : memref<4x200x64xf32, #tpu.memory_space<vmem>>) dst(%dma_wait3A_969 : memref<4x200x64xf32, #tpu.memory_space<hbm>>)
        tpu.yield
      }) : () -> ()
      %mul3A_704 = arith.constant 2 : i32
      %mul3A_705 = arith.muli %mul3A_704, %scan3A_465 : i32
      %add3A_706 = arith.constant 1 : i32
      %add3A_707 = arith.addi %mul3A_705, %add3A_706 : i32
      %add3A_708 = arith.constant 1 : i32
      %add3A_709 = arith.addi %add3A_707, %add3A_708 : i32
      %mul3A_710 = arith.constant 4 : i32
      %mul3A_711 = arith.muli %add3A_709, %mul3A_710 : i32
      %add3A_712 = arith.addi %mul3A_2, %mul3A_711 : i32
      %run_scoped3A_713 = arith.constant 0 : i32
      "tpu.region"() ({
        %run_scoped3A_942 = tpu.sem_alloc : memref<!tpu.dma_semaphore, #tpu.memory_space<semaphore_mem>>
        %dma_start3A_943 = arith.constant 0 : i32
        %dma_start3A_944 = arith.constant 0 : i32
        %dma_start3A_945 = tpu.memref_slice %arg5[%run_scoped3A_713, %dma_start3A_943, %dma_start3A_944] : memref<2x4x200xi32, #tpu.memory_space<vmem>> -> memref<1x4x200xi32, #tpu.memory_space<vmem>>
        %dma_start3A_946 = tpu.memref_squeeze %dma_start3A_945 : memref<1x4x200xi32, #tpu.memory_space<vmem>> -> memref<4x200xi32, #tpu.memory_space<vmem>>
        %dma_start3A_947 = arith.constant 0 : i32
        %dma_start3A_948 = tpu.memref_slice %arg3[%add3A_712, %dma_start3A_947] : memref<4096x200xi32, #tpu.memory_space<hbm>> -> memref<4x200xi32, #tpu.memory_space<hbm>>
        %dma_start3A_949 = arith.constant 0 : i32
        %dma_start3A_950 = arith.constant 0 : i32
        %dma_start3A_951 = tpu.memref_slice %arg5[%run_scoped3A_713, %dma_start3A_949, %dma_start3A_950] : memref<2x4x200xi32, #tpu.memory_space<vmem>> -> memref<1x4x200xi32, #tpu.memory_space<vmem>>
        %dma_start3A_952 = tpu.memref_squeeze %dma_start3A_951 : memref<1x4x200xi32, #tpu.memory_space<vmem>> -> memref<4x200xi32, #tpu.memory_space<vmem>>
        %dma_start3A_953 = arith.constant 0 : i32
        %dma_start3A_954 = tpu.memref_slice %arg3[%add3A_712, %dma_start3A_953] : memref<4096x200xi32, #tpu.memory_space<hbm>> -> memref<4x200xi32, #tpu.memory_space<hbm>>
        tpu.enqueue_dma source(%dma_start3A_954 : memref<4x200xi32, #tpu.memory_space<hbm>>) target(%dma_start3A_952 : memref<4x200xi32, #tpu.memory_space<vmem>>) target_semaphore(%run_scoped3A_942 : memref<!tpu.dma_semaphore, #tpu.memory_space<semaphore_mem>>)
        %dma_wait3A_955 = arith.constant 0 : i32
        %dma_wait3A_956 = arith.constant 0 : i32
        %dma_wait3A_957 = tpu.memref_slice %arg5[%run_scoped3A_713, %dma_wait3A_955, %dma_wait3A_956] : memref<2x4x200xi32, #tpu.memory_space<vmem>> -> memref<1x4x200xi32, #tpu.memory_space<vmem>>
        %dma_wait3A_958 = tpu.memref_squeeze %dma_wait3A_957 : memref<1x4x200xi32, #tpu.memory_space<vmem>> -> memref<4x200xi32, #tpu.memory_space<vmem>>
        %dma_wait3A_959 = arith.constant 0 : i32
        %dma_wait3A_960 = tpu.memref_slice %arg3[%add3A_712, %dma_wait3A_959] : memref<4096x200xi32, #tpu.memory_space<hbm>> -> memref<4x200xi32, #tpu.memory_space<hbm>>
        %dma_wait3A_961 = arith.constant 0 : i32
        %dma_wait3A_962 = arith.constant 0 : i32
        %dma_wait3A_963 = tpu.memref_slice %arg5[%run_scoped3A_713, %dma_wait3A_961, %dma_wait3A_962] : memref<2x4x200xi32, #tpu.memory_space<vmem>> -> memref<1x4x200xi32, #tpu.memory_space<vmem>>
        %dma_wait3A_964 = tpu.memref_squeeze %dma_wait3A_963 : memref<1x4x200xi32, #tpu.memory_space<vmem>> -> memref<4x200xi32, #tpu.memory_space<vmem>>
        %dma_wait3A_965 = arith.constant 0 : i32
        %dma_wait3A_966 = tpu.memref_slice %arg3[%add3A_712, %dma_wait3A_965] : memref<4096x200xi32, #tpu.memory_space<hbm>> -> memref<4x200xi32, #tpu.memory_space<hbm>>
        tpu.wait_dma2 semaphore(%run_scoped3A_942 : memref<!tpu.dma_semaphore, #tpu.memory_space<semaphore_mem>>) src(%dma_wait3A_966 : memref<4x200xi32, #tpu.memory_space<hbm>>) dst(%dma_wait3A_964 : memref<4x200xi32, #tpu.memory_space<vmem>>)
        tpu.yield
      }) : () -> ()
      %dma_start3A_714 = arith.constant 0 : i32
      %dma_start3A_715 = arith.constant 0 : i32
      %dma_start3A_716 = arith.constant 0 : i32
      %dma_start3A_717 = arith.constant 0 : i32
      %dma_start3A_718 = arith.constant 0 : i32
      %dma_start3A_719 = arith.constant 0 : i32
      %dma_start3A_720 = tpu.memref_slice %arg6[%dma_start3A_716, %dma_start3A_717, %dma_start3A_718, %dma_start3A_719] : memref<2x4x200x64xf32, #tpu.memory_space<vmem>> -> memref<1x1x128x64xf32, #tpu.memory_space<vmem>>
      %dma_start3A_721 = tpu.memref_squeeze %dma_start3A_720 : memref<1x1x128x64xf32, #tpu.memory_space<vmem>> -> memref<128x64xf32, #tpu.memory_space<vmem>>
      %dma_start3A_722 = arith.constant 0 : i32
      %dma_start3A_723 = tpu.memref_slice %arg5[%dma_start3A_714, %dma_start3A_715, %dma_start3A_722] : memref<2x4x200xi32, #tpu.memory_space<vmem>> -> memref<1x1x128xi32, #tpu.memory_space<vmem>>
      %dma_start3A_724 = tpu.memref_squeeze %dma_start3A_723 : memref<1x1x128xi32, #tpu.memory_space<vmem>> -> memref<128xi32, #tpu.memory_space<vmem>>
      %dma_start3A_725 = arith.constant 0 : i32
      %dma_start3A_726 = arith.constant 0 : i32
      %dma_start3A_727 = tpu.memref_slice %arg2[%dma_start3A_725, %dma_start3A_726] : memref<1000000x64xf32, #tpu.memory_space<hbm>> -> memref<1000000x64xf32, #tpu.memory_space<hbm>>
      tpu.enqueue_indirect_dma source(%dma_start3A_727 : memref<1000000x64xf32, #tpu.memory_space<hbm>>) target(%dma_start3A_721 : memref<128x64xf32, #tpu.memory_space<vmem>>) offsets(%dma_start3A_724 : memref<128xi32, #tpu.memory_space<vmem>>) semaphore(%arg7 : memref<!tpu.dma_semaphore, #tpu.memory_space<semaphore_mem>>)
      %dma_start3A_728 = arith.constant 0 : i32
      %dma_start3A_729 = arith.constant 0 : i32
      %dma_start3A_730 = arith.constant 0 : i32
      %dma_start3A_731 = arith.constant 0 : i32
      %dma_start3A_732 = arith.constant 128 : i32
      %dma_start3A_733 = arith.constant 0 : i32
      %dma_start3A_734 = tpu.memref_slice %arg6[%dma_start3A_730, %dma_start3A_731, %dma_start3A_732, %dma_start3A_733] : memref<2x4x200x64xf32, #tpu.memory_space<vmem>> -> memref<1x1x72x64xf32, #tpu.memory_space<vmem>>
      %dma_start3A_735 = tpu.memref_squeeze %dma_start3A_734 : memref<1x1x72x64xf32, #tpu.memory_space<vmem>> -> memref<72x64xf32, #tpu.memory_space<vmem>>
      %dma_start3A_736 = arith.constant 128 : i32
      %dma_start3A_737 = tpu.memref_slice %arg5[%dma_start3A_728, %dma_start3A_729, %dma_start3A_736] : memref<2x4x200xi32, #tpu.memory_space<vmem>> -> memref<1x1x72xi32, #tpu.memory_space<vmem>>
      %dma_start3A_738 = tpu.memref_squeeze %dma_start3A_737 : memref<1x1x72xi32, #tpu.memory_space<vmem>> -> memref<72xi32, #tpu.memory_space<vmem>>
      %dma_start3A_739 = arith.constant 0 : i32
      %dma_start3A_740 = arith.constant 0 : i32
      %dma_start3A_741 = tpu.memref_slice %arg2[%dma_start3A_739, %dma_start3A_740] : memref<1000000x64xf32, #tpu.memory_space<hbm>> -> memref<1000000x64xf32, #tpu.memory_space<hbm>>
      tpu.enqueue_indirect_dma source(%dma_start3A_741 : memref<1000000x64xf32, #tpu.memory_space<hbm>>) target(%dma_start3A_735 : memref<72x64xf32, #tpu.memory_space<vmem>>) offsets(%dma_start3A_738 : memref<72xi32, #tpu.memory_space<vmem>>) semaphore(%arg7 : memref<!tpu.dma_semaphore, #tpu.memory_space<semaphore_mem>>)
      %dma_start3A_742 = arith.constant 0 : i32
      %dma_start3A_743 = arith.constant 1 : i32
      %dma_start3A_744 = arith.constant 0 : i32
      %dma_start3A_745 = arith.constant 1 : i32
      %dma_start3A_746 = arith.constant 0 : i32
      %dma_start3A_747 = arith.constant 0 : i32
      %dma_start3A_748 = tpu.memref_slice %arg6[%dma_start3A_744, %dma_start3A_745, %dma_start3A_746, %dma_start3A_747] : memref<2x4x200x64xf32, #tpu.memory_space<vmem>> -> memref<1x1x128x64xf32, #tpu.memory_space<vmem>>
      %dma_start3A_749 = tpu.memref_squeeze %dma_start3A_748 : memref<1x1x128x64xf32, #tpu.memory_space<vmem>> -> memref<128x64xf32, #tpu.memory_space<vmem>>
      %dma_start3A_750 = arith.constant 0 : i32
      %dma_start3A_751 = tpu.memref_slice %arg5[%dma_start3A_742, %dma_start3A_743, %dma_start3A_750] : memref<2x4x200xi32, #tpu.memory_space<vmem>> -> memref<1x1x128xi32, #tpu.memory_space<vmem>>
      %dma_start3A_752 = tpu.memref_squeeze %dma_start3A_751 : memref<1x1x128xi32, #tpu.memory_space<vmem>> -> memref<128xi32, #tpu.memory_space<vmem>>
      %dma_start3A_753 = arith.constant 0 : i32
      %dma_start3A_754 = arith.constant 0 : i32
      %dma_start3A_755 = tpu.memref_slice %arg2[%dma_start3A_753, %dma_start3A_754] : memref<1000000x64xf32, #tpu.memory_space<hbm>> -> memref<1000000x64xf32, #tpu.memory_space<hbm>>
      tpu.enqueue_indirect_dma source(%dma_start3A_755 : memref<1000000x64xf32, #tpu.memory_space<hbm>>) target(%dma_start3A_749 : memref<128x64xf32, #tpu.memory_space<vmem>>) offsets(%dma_start3A_752 : memref<128xi32, #tpu.memory_space<vmem>>) semaphore(%arg7 : memref<!tpu.dma_semaphore, #tpu.memory_space<semaphore_mem>>)
      %dma_start3A_756 = arith.constant 0 : i32
      %dma_start3A_757 = arith.constant 1 : i32
      %dma_start3A_758 = arith.constant 0 : i32
      %dma_start3A_759 = arith.constant 1 : i32
      %dma_start3A_760 = arith.constant 128 : i32
      %dma_start3A_761 = arith.constant 0 : i32
      %dma_start3A_762 = tpu.memref_slice %arg6[%dma_start3A_758, %dma_start3A_759, %dma_start3A_760, %dma_start3A_761] : memref<2x4x200x64xf32, #tpu.memory_space<vmem>> -> memref<1x1x72x64xf32, #tpu.memory_space<vmem>>
      %dma_start3A_763 = tpu.memref_squeeze %dma_start3A_762 : memref<1x1x72x64xf32, #tpu.memory_space<vmem>> -> memref<72x64xf32, #tpu.memory_space<vmem>>
      %dma_start3A_764 = arith.constant 128 : i32
      %dma_start3A_765 = tpu.memref_slice %arg5[%dma_start3A_756, %dma_start3A_757, %dma_start3A_764] : memref<2x4x200xi32, #tpu.memory_space<vmem>> -> memref<1x1x72xi32, #tpu.memory_space<vmem>>
      %dma_start3A_766 = tpu.memref_squeeze %dma_start3A_765 : memref<1x1x72xi32, #tpu.memory_space<vmem>> -> memref<72xi32, #tpu.memory_space<vmem>>
      %dma_start3A_767 = arith.constant 0 : i32
      %dma_start3A_768 = arith.constant 0 : i32
      %dma_start3A_769 = tpu.memref_slice %arg2[%dma_start3A_767, %dma_start3A_768] : memref<1000000x64xf32, #tpu.memory_space<hbm>> -> memref<1000000x64xf32, #tpu.memory_space<hbm>>
      tpu.enqueue_indirect_dma source(%dma_start3A_769 : memref<1000000x64xf32, #tpu.memory_space<hbm>>) target(%dma_start3A_763 : memref<72x64xf32, #tpu.memory_space<vmem>>) offsets(%dma_start3A_766 : memref<72xi32, #tpu.memory_space<vmem>>) semaphore(%arg7 : memref<!tpu.dma_semaphore, #tpu.memory_space<semaphore_mem>>)
      %dma_start3A_770 = arith.constant 0 : i32
      %dma_start3A_771 = arith.constant 2 : i32
      %dma_start3A_772 = arith.constant 0 : i32
      %dma_start3A_773 = arith.constant 2 : i32
      %dma_start3A_774 = arith.constant 0 : i32
      %dma_start3A_775 = arith.constant 0 : i32
      %dma_start3A_776 = tpu.memref_slice %arg6[%dma_start3A_772, %dma_start3A_773, %dma_start3A_774, %dma_start3A_775] : memref<2x4x200x64xf32, #tpu.memory_space<vmem>> -> memref<1x1x128x64xf32, #tpu.memory_space<vmem>>
      %dma_start3A_777 = tpu.memref_squeeze %dma_start3A_776 : memref<1x1x128x64xf32, #tpu.memory_space<vmem>> -> memref<128x64xf32, #tpu.memory_space<vmem>>
      %dma_start3A_778 = arith.constant 0 : i32
      %dma_start3A_779 = tpu.memref_slice %arg5[%dma_start3A_770, %dma_start3A_771, %dma_start3A_778] : memref<2x4x200xi32, #tpu.memory_space<vmem>> -> memref<1x1x128xi32, #tpu.memory_space<vmem>>
      %dma_start3A_780 = tpu.memref_squeeze %dma_start3A_779 : memref<1x1x128xi32, #tpu.memory_space<vmem>> -> memref<128xi32, #tpu.memory_space<vmem>>
      %dma_start3A_781 = arith.constant 0 : i32
      %dma_start3A_782 = arith.constant 0 : i32
      %dma_start3A_783 = tpu.memref_slice %arg2[%dma_start3A_781, %dma_start3A_782] : memref<1000000x64xf32, #tpu.memory_space<hbm>> -> memref<1000000x64xf32, #tpu.memory_space<hbm>>
      tpu.enqueue_indirect_dma source(%dma_start3A_783 : memref<1000000x64xf32, #tpu.memory_space<hbm>>) target(%dma_start3A_777 : memref<128x64xf32, #tpu.memory_space<vmem>>) offsets(%dma_start3A_780 : memref<128xi32, #tpu.memory_space<vmem>>) semaphore(%arg7 : memref<!tpu.dma_semaphore, #tpu.memory_space<semaphore_mem>>)
      %dma_start3A_784 = arith.constant 0 : i32
      %dma_start3A_785 = arith.constant 2 : i32
      %dma_start3A_786 = arith.constant 0 : i32
      %dma_start3A_787 = arith.constant 2 : i32
      %dma_start3A_788 = arith.constant 128 : i32
      %dma_start3A_789 = arith.constant 0 : i32
      %dma_start3A_790 = tpu.memref_slice %arg6[%dma_start3A_786, %dma_start3A_787, %dma_start3A_788, %dma_start3A_789] : memref<2x4x200x64xf32, #tpu.memory_space<vmem>> -> memref<1x1x72x64xf32, #tpu.memory_space<vmem>>
      %dma_start3A_791 = tpu.memref_squeeze %dma_start3A_790 : memref<1x1x72x64xf32, #tpu.memory_space<vmem>> -> memref<72x64xf32, #tpu.memory_space<vmem>>
      %dma_start3A_792 = arith.constant 128 : i32
      %dma_start3A_793 = tpu.memref_slice %arg5[%dma_start3A_784, %dma_start3A_785, %dma_start3A_792] : memref<2x4x200xi32, #tpu.memory_space<vmem>> -> memref<1x1x72xi32, #tpu.memory_space<vmem>>
      %dma_start3A_794 = tpu.memref_squeeze %dma_start3A_793 : memref<1x1x72xi32, #tpu.memory_space<vmem>> -> memref<72xi32, #tpu.memory_space<vmem>>
      %dma_start3A_795 = arith.constant 0 : i32
      %dma_start3A_796 = arith.constant 0 : i32
      %dma_start3A_797 = tpu.memref_slice %arg2[%dma_start3A_795, %dma_start3A_796] : memref<1000000x64xf32, #tpu.memory_space<hbm>> -> memref<1000000x64xf32, #tpu.memory_space<hbm>>
      tpu.enqueue_indirect_dma source(%dma_start3A_797 : memref<1000000x64xf32, #tpu.memory_space<hbm>>) target(%dma_start3A_791 : memref<72x64xf32, #tpu.memory_space<vmem>>) offsets(%dma_start3A_794 : memref<72xi32, #tpu.memory_space<vmem>>) semaphore(%arg7 : memref<!tpu.dma_semaphore, #tpu.memory_space<semaphore_mem>>)
      %dma_start3A_798 = arith.constant 0 : i32
      %dma_start3A_799 = arith.constant 3 : i32
      %dma_start3A_800 = arith.constant 0 : i32
      %dma_start3A_801 = arith.constant 3 : i32
      %dma_start3A_802 = arith.constant 0 : i32
      %dma_start3A_803 = arith.constant 0 : i32
      %dma_start3A_804 = tpu.memref_slice %arg6[%dma_start3A_800, %dma_start3A_801, %dma_start3A_802, %dma_start3A_803] : memref<2x4x200x64xf32, #tpu.memory_space<vmem>> -> memref<1x1x128x64xf32, #tpu.memory_space<vmem>>
      %dma_start3A_805 = tpu.memref_squeeze %dma_start3A_804 : memref<1x1x128x64xf32, #tpu.memory_space<vmem>> -> memref<128x64xf32, #tpu.memory_space<vmem>>
      %dma_start3A_806 = arith.constant 0 : i32
      %dma_start3A_807 = tpu.memref_slice %arg5[%dma_start3A_798, %dma_start3A_799, %dma_start3A_806] : memref<2x4x200xi32, #tpu.memory_space<vmem>> -> memref<1x1x128xi32, #tpu.memory_space<vmem>>
      %dma_start3A_808 = tpu.memref_squeeze %dma_start3A_807 : memref<1x1x128xi32, #tpu.memory_space<vmem>> -> memref<128xi32, #tpu.memory_space<vmem>>
      %dma_start3A_809 = arith.constant 0 : i32
      %dma_start3A_810 = arith.constant 0 : i32
      %dma_start3A_811 = tpu.memref_slice %arg2[%dma_start3A_809, %dma_start3A_810] : memref<1000000x64xf32, #tpu.memory_space<hbm>> -> memref<1000000x64xf32, #tpu.memory_space<hbm>>
      tpu.enqueue_indirect_dma source(%dma_start3A_811 : memref<1000000x64xf32, #tpu.memory_space<hbm>>) target(%dma_start3A_805 : memref<128x64xf32, #tpu.memory_space<vmem>>) offsets(%dma_start3A_808 : memref<128xi32, #tpu.memory_space<vmem>>) semaphore(%arg7 : memref<!tpu.dma_semaphore, #tpu.memory_space<semaphore_mem>>)
      %dma_start3A_812 = arith.constant 0 : i32
      %dma_start3A_813 = arith.constant 3 : i32
      %dma_start3A_814 = arith.constant 0 : i32
      %dma_start3A_815 = arith.constant 3 : i32
      %dma_start3A_816 = arith.constant 128 : i32
      %dma_start3A_817 = arith.constant 0 : i32
      %dma_start3A_818 = tpu.memref_slice %arg6[%dma_start3A_814, %dma_start3A_815, %dma_start3A_816, %dma_start3A_817] : memref<2x4x200x64xf32, #tpu.memory_space<vmem>> -> memref<1x1x72x64xf32, #tpu.memory_space<vmem>>
      %dma_start3A_819 = tpu.memref_squeeze %dma_start3A_818 : memref<1x1x72x64xf32, #tpu.memory_space<vmem>> -> memref<72x64xf32, #tpu.memory_space<vmem>>
      %dma_start3A_820 = arith.constant 128 : i32
      %dma_start3A_821 = tpu.memref_slice %arg5[%dma_start3A_812, %dma_start3A_813, %dma_start3A_820] : memref<2x4x200xi32, #tpu.memory_space<vmem>> -> memref<1x1x72xi32, #tpu.memory_space<vmem>>
      %dma_start3A_822 = tpu.memref_squeeze %dma_start3A_821 : memref<1x1x72xi32, #tpu.memory_space<vmem>> -> memref<72xi32, #tpu.memory_space<vmem>>
      %dma_start3A_823 = arith.constant 0 : i32
      %dma_start3A_824 = arith.constant 0 : i32
      %dma_start3A_825 = tpu.memref_slice %arg2[%dma_start3A_823, %dma_start3A_824] : memref<1000000x64xf32, #tpu.memory_space<hbm>> -> memref<1000000x64xf32, #tpu.memory_space<hbm>>
      tpu.enqueue_indirect_dma source(%dma_start3A_825 : memref<1000000x64xf32, #tpu.memory_space<hbm>>) target(%dma_start3A_819 : memref<72x64xf32, #tpu.memory_space<vmem>>) offsets(%dma_start3A_822 : memref<72xi32, #tpu.memory_space<vmem>>) semaphore(%arg7 : memref<!tpu.dma_semaphore, #tpu.memory_space<semaphore_mem>>)
      %dma_wait3A_826 = arith.constant 1 : i32
      %dma_wait3A_827 = arith.constant 0 : i32
      %dma_wait3A_828 = arith.constant 1 : i32
      %dma_wait3A_829 = arith.constant 0 : i32
      %dma_wait3A_830 = arith.constant 0 : i32
      %dma_wait3A_831 = arith.constant 0 : i32
      %dma_wait3A_832 = tpu.memref_slice %arg6[%dma_wait3A_828, %dma_wait3A_829, %dma_wait3A_830, %dma_wait3A_831] : memref<2x4x200x64xf32, #tpu.memory_space<vmem>> -> memref<1x1x128x64xf32, #tpu.memory_space<vmem>>
      %dma_wait3A_833 = tpu.memref_squeeze %dma_wait3A_832 : memref<1x1x128x64xf32, #tpu.memory_space<vmem>> -> memref<128x64xf32, #tpu.memory_space<vmem>>
      %dma_wait3A_834 = arith.constant 0 : i32
      %dma_wait3A_835 = tpu.memref_slice %arg5[%dma_wait3A_826, %dma_wait3A_827, %dma_wait3A_834] : memref<2x4x200xi32, #tpu.memory_space<vmem>> -> memref<1x1x128xi32, #tpu.memory_space<vmem>>
      %dma_wait3A_836 = tpu.memref_squeeze %dma_wait3A_835 : memref<1x1x128xi32, #tpu.memory_space<vmem>> -> memref<128xi32, #tpu.memory_space<vmem>>
      %dma_wait3A_837 = arith.constant 0 : i32
      %dma_wait3A_838 = arith.constant 0 : i32
      %dma_wait3A_839 = tpu.memref_slice %arg2[%dma_wait3A_837, %dma_wait3A_838] : memref<1000000x64xf32, #tpu.memory_space<hbm>> -> memref<1000000x64xf32, #tpu.memory_space<hbm>>
      tpu.wait_indirect_dma semaphore(%arg8 : memref<!tpu.dma_semaphore, #tpu.memory_space<semaphore_mem>>) src(%dma_wait3A_839 : memref<1000000x64xf32, #tpu.memory_space<hbm>>) dst(%dma_wait3A_833 : memref<128x64xf32, #tpu.memory_space<vmem>>)
      %dma_wait3A_840 = arith.constant 1 : i32
      %dma_wait3A_841 = arith.constant 0 : i32
      %dma_wait3A_842 = arith.constant 1 : i32
      %dma_wait3A_843 = arith.constant 0 : i32
      %dma_wait3A_844 = arith.constant 128 : i32
      %dma_wait3A_845 = arith.constant 0 : i32
      %dma_wait3A_846 = tpu.memref_slice %arg6[%dma_wait3A_842, %dma_wait3A_843, %dma_wait3A_844, %dma_wait3A_845] : memref<2x4x200x64xf32, #tpu.memory_space<vmem>> -> memref<1x1x72x64xf32, #tpu.memory_space<vmem>>
      %dma_wait3A_847 = tpu.memref_squeeze %dma_wait3A_846 : memref<1x1x72x64xf32, #tpu.memory_space<vmem>> -> memref<72x64xf32, #tpu.memory_space<vmem>>
      %dma_wait3A_848 = arith.constant 128 : i32
      %dma_wait3A_849 = tpu.memref_slice %arg5[%dma_wait3A_840, %dma_wait3A_841, %dma_wait3A_848] : memref<2x4x200xi32, #tpu.memory_space<vmem>> -> memref<1x1x72xi32, #tpu.memory_space<vmem>>
      %dma_wait3A_850 = tpu.memref_squeeze %dma_wait3A_849 : memref<1x1x72xi32, #tpu.memory_space<vmem>> -> memref<72xi32, #tpu.memory_space<vmem>>
      %dma_wait3A_851 = arith.constant 0 : i32
      %dma_wait3A_852 = arith.constant 0 : i32
      %dma_wait3A_853 = tpu.memref_slice %arg2[%dma_wait3A_851, %dma_wait3A_852] : memref<1000000x64xf32, #tpu.memory_space<hbm>> -> memref<1000000x64xf32, #tpu.memory_space<hbm>>
      tpu.wait_indirect_dma semaphore(%arg8 : memref<!tpu.dma_semaphore, #tpu.memory_space<semaphore_mem>>) src(%dma_wait3A_853 : memref<1000000x64xf32, #tpu.memory_space<hbm>>) dst(%dma_wait3A_847 : memref<72x64xf32, #tpu.memory_space<vmem>>)
      %dma_wait3A_854 = arith.constant 1 : i32
      %dma_wait3A_855 = arith.constant 1 : i32
      %dma_wait3A_856 = arith.constant 1 : i32
      %dma_wait3A_857 = arith.constant 1 : i32
      %dma_wait3A_858 = arith.constant 0 : i32
      %dma_wait3A_859 = arith.constant 0 : i32
      %dma_wait3A_860 = tpu.memref_slice %arg6[%dma_wait3A_856, %dma_wait3A_857, %dma_wait3A_858, %dma_wait3A_859] : memref<2x4x200x64xf32, #tpu.memory_space<vmem>> -> memref<1x1x128x64xf32, #tpu.memory_space<vmem>>
      %dma_wait3A_861 = tpu.memref_squeeze %dma_wait3A_860 : memref<1x1x128x64xf32, #tpu.memory_space<vmem>> -> memref<128x64xf32, #tpu.memory_space<vmem>>
      %dma_wait3A_862 = arith.constant 0 : i32
      %dma_wait3A_863 = tpu.memref_slice %arg5[%dma_wait3A_854, %dma_wait3A_855, %dma_wait3A_862] : memref<2x4x200xi32, #tpu.memory_space<vmem>> -> memref<1x1x128xi32, #tpu.memory_space<vmem>>
      %dma_wait3A_864 = tpu.memref_squeeze %dma_wait3A_863 : memref<1x1x128xi32, #tpu.memory_space<vmem>> -> memref<128xi32, #tpu.memory_space<vmem>>
      %dma_wait3A_865 = arith.constant 0 : i32
      %dma_wait3A_866 = arith.constant 0 : i32
      %dma_wait3A_867 = tpu.memref_slice %arg2[%dma_wait3A_865, %dma_wait3A_866] : memref<1000000x64xf32, #tpu.memory_space<hbm>> -> memref<1000000x64xf32, #tpu.memory_space<hbm>>
      tpu.wait_indirect_dma semaphore(%arg8 : memref<!tpu.dma_semaphore, #tpu.memory_space<semaphore_mem>>) src(%dma_wait3A_867 : memref<1000000x64xf32, #tpu.memory_space<hbm>>) dst(%dma_wait3A_861 : memref<128x64xf32, #tpu.memory_space<vmem>>)
      %dma_wait3A_868 = arith.constant 1 : i32
      %dma_wait3A_869 = arith.constant 1 : i32
      %dma_wait3A_870 = arith.constant 1 : i32
      %dma_wait3A_871 = arith.constant 1 : i32
      %dma_wait3A_872 = arith.constant 128 : i32
      %dma_wait3A_873 = arith.constant 0 : i32
      %dma_wait3A_874 = tpu.memref_slice %arg6[%dma_wait3A_870, %dma_wait3A_871, %dma_wait3A_872, %dma_wait3A_873] : memref<2x4x200x64xf32, #tpu.memory_space<vmem>> -> memref<1x1x72x64xf32, #tpu.memory_space<vmem>>
      %dma_wait3A_875 = tpu.memref_squeeze %dma_wait3A_874 : memref<1x1x72x64xf32, #tpu.memory_space<vmem>> -> memref<72x64xf32, #tpu.memory_space<vmem>>
      %dma_wait3A_876 = arith.constant 128 : i32
      %dma_wait3A_877 = tpu.memref_slice %arg5[%dma_wait3A_868, %dma_wait3A_869, %dma_wait3A_876] : memref<2x4x200xi32, #tpu.memory_space<vmem>> -> memref<1x1x72xi32, #tpu.memory_space<vmem>>
      %dma_wait3A_878 = tpu.memref_squeeze %dma_wait3A_877 : memref<1x1x72xi32, #tpu.memory_space<vmem>> -> memref<72xi32, #tpu.memory_space<vmem>>
      %dma_wait3A_879 = arith.constant 0 : i32
      %dma_wait3A_880 = arith.constant 0 : i32
      %dma_wait3A_881 = tpu.memref_slice %arg2[%dma_wait3A_879, %dma_wait3A_880] : memref<1000000x64xf32, #tpu.memory_space<hbm>> -> memref<1000000x64xf32, #tpu.memory_space<hbm>>
      tpu.wait_indirect_dma semaphore(%arg8 : memref<!tpu.dma_semaphore, #tpu.memory_space<semaphore_mem>>) src(%dma_wait3A_881 : memref<1000000x64xf32, #tpu.memory_space<hbm>>) dst(%dma_wait3A_875 : memref<72x64xf32, #tpu.memory_space<vmem>>)
      %dma_wait3A_882 = arith.constant 1 : i32
      %dma_wait3A_883 = arith.constant 2 : i32
      %dma_wait3A_884 = arith.constant 1 : i32
      %dma_wait3A_885 = arith.constant 2 : i32
      %dma_wait3A_886 = arith.constant 0 : i32
      %dma_wait3A_887 = arith.constant 0 : i32
      %dma_wait3A_888 = tpu.memref_slice %arg6[%dma_wait3A_884, %dma_wait3A_885, %dma_wait3A_886, %dma_wait3A_887] : memref<2x4x200x64xf32, #tpu.memory_space<vmem>> -> memref<1x1x128x64xf32, #tpu.memory_space<vmem>>
      %dma_wait3A_889 = tpu.memref_squeeze %dma_wait3A_888 : memref<1x1x128x64xf32, #tpu.memory_space<vmem>> -> memref<128x64xf32, #tpu.memory_space<vmem>>
      %dma_wait3A_890 = arith.constant 0 : i32
      %dma_wait3A_891 = tpu.memref_slice %arg5[%dma_wait3A_882, %dma_wait3A_883, %dma_wait3A_890] : memref<2x4x200xi32, #tpu.memory_space<vmem>> -> memref<1x1x128xi32, #tpu.memory_space<vmem>>
      %dma_wait3A_892 = tpu.memref_squeeze %dma_wait3A_891 : memref<1x1x128xi32, #tpu.memory_space<vmem>> -> memref<128xi32, #tpu.memory_space<vmem>>
      %dma_wait3A_893 = arith.constant 0 : i32
      %dma_wait3A_894 = arith.constant 0 : i32
      %dma_wait3A_895 = tpu.memref_slice %arg2[%dma_wait3A_893, %dma_wait3A_894] : memref<1000000x64xf32, #tpu.memory_space<hbm>> -> memref<1000000x64xf32, #tpu.memory_space<hbm>>
      tpu.wait_indirect_dma semaphore(%arg8 : memref<!tpu.dma_semaphore, #tpu.memory_space<semaphore_mem>>) src(%dma_wait3A_895 : memref<1000000x64xf32, #tpu.memory_space<hbm>>) dst(%dma_wait3A_889 : memref<128x64xf32, #tpu.memory_space<vmem>>)
      %dma_wait3A_896 = arith.constant 1 : i32
      %dma_wait3A_897 = arith.constant 2 : i32
      %dma_wait3A_898 = arith.constant 1 : i32
      %dma_wait3A_899 = arith.constant 2 : i32
      %dma_wait3A_900 = arith.constant 128 : i32
      %dma_wait3A_901 = arith.constant 0 : i32
      %dma_wait3A_902 = tpu.memref_slice %arg6[%dma_wait3A_898, %dma_wait3A_899, %dma_wait3A_900, %dma_wait3A_901] : memref<2x4x200x64xf32, #tpu.memory_space<vmem>> -> memref<1x1x72x64xf32, #tpu.memory_space<vmem>>
      %dma_wait3A_903 = tpu.memref_squeeze %dma_wait3A_902 : memref<1x1x72x64xf32, #tpu.memory_space<vmem>> -> memref<72x64xf32, #tpu.memory_space<vmem>>
      %dma_wait3A_904 = arith.constant 128 : i32
      %dma_wait3A_905 = tpu.memref_slice %arg5[%dma_wait3A_896, %dma_wait3A_897, %dma_wait3A_904] : memref<2x4x200xi32, #tpu.memory_space<vmem>> -> memref<1x1x72xi32, #tpu.memory_space<vmem>>
      %dma_wait3A_906 = tpu.memref_squeeze %dma_wait3A_905 : memref<1x1x72xi32, #tpu.memory_space<vmem>> -> memref<72xi32, #tpu.memory_space<vmem>>
      %dma_wait3A_907 = arith.constant 0 : i32
      %dma_wait3A_908 = arith.constant 0 : i32
      %dma_wait3A_909 = tpu.memref_slice %arg2[%dma_wait3A_907, %dma_wait3A_908] : memref<1000000x64xf32, #tpu.memory_space<hbm>> -> memref<1000000x64xf32, #tpu.memory_space<hbm>>
      tpu.wait_indirect_dma semaphore(%arg8 : memref<!tpu.dma_semaphore, #tpu.memory_space<semaphore_mem>>) src(%dma_wait3A_909 : memref<1000000x64xf32, #tpu.memory_space<hbm>>) dst(%dma_wait3A_903 : memref<72x64xf32, #tpu.memory_space<vmem>>)
      %dma_wait3A_910 = arith.constant 1 : i32
      %dma_wait3A_911 = arith.constant 3 : i32
      %dma_wait3A_912 = arith.constant 1 : i32
      %dma_wait3A_913 = arith.constant 3 : i32
      %dma_wait3A_914 = arith.constant 0 : i32
      %dma_wait3A_915 = arith.constant 0 : i32
      %dma_wait3A_916 = tpu.memref_slice %arg6[%dma_wait3A_912, %dma_wait3A_913, %dma_wait3A_914, %dma_wait3A_915] : memref<2x4x200x64xf32, #tpu.memory_space<vmem>> -> memref<1x1x128x64xf32, #tpu.memory_space<vmem>>
      %dma_wait3A_917 = tpu.memref_squeeze %dma_wait3A_916 : memref<1x1x128x64xf32, #tpu.memory_space<vmem>> -> memref<128x64xf32, #tpu.memory_space<vmem>>
      %dma_wait3A_918 = arith.constant 0 : i32
      %dma_wait3A_919 = tpu.memref_slice %arg5[%dma_wait3A_910, %dma_wait3A_911, %dma_wait3A_918] : memref<2x4x200xi32, #tpu.memory_space<vmem>> -> memref<1x1x128xi32, #tpu.memory_space<vmem>>
      %dma_wait3A_920 = tpu.memref_squeeze %dma_wait3A_919 : memref<1x1x128xi32, #tpu.memory_space<vmem>> -> memref<128xi32, #tpu.memory_space<vmem>>
      %dma_wait3A_921 = arith.constant 0 : i32
      %dma_wait3A_922 = arith.constant 0 : i32
      %dma_wait3A_923 = tpu.memref_slice %arg2[%dma_wait3A_921, %dma_wait3A_922] : memref<1000000x64xf32, #tpu.memory_space<hbm>> -> memref<1000000x64xf32, #tpu.memory_space<hbm>>
      tpu.wait_indirect_dma semaphore(%arg8 : memref<!tpu.dma_semaphore, #tpu.memory_space<semaphore_mem>>) src(%dma_wait3A_923 : memref<1000000x64xf32, #tpu.memory_space<hbm>>) dst(%dma_wait3A_917 : memref<128x64xf32, #tpu.memory_space<vmem>>)
      %dma_wait3A_924 = arith.constant 1 : i32
      %dma_wait3A_925 = arith.constant 3 : i32
      %dma_wait3A_926 = arith.constant 1 : i32
      %dma_wait3A_927 = arith.constant 3 : i32
      %dma_wait3A_928 = arith.constant 128 : i32
      %dma_wait3A_929 = arith.constant 0 : i32
      %dma_wait3A_930 = tpu.memref_slice %arg6[%dma_wait3A_926, %dma_wait3A_927, %dma_wait3A_928, %dma_wait3A_929] : memref<2x4x200x64xf32, #tpu.memory_space<vmem>> -> memref<1x1x72x64xf32, #tpu.memory_space<vmem>>
      %dma_wait3A_931 = tpu.memref_squeeze %dma_wait3A_930 : memref<1x1x72x64xf32, #tpu.memory_space<vmem>> -> memref<72x64xf32, #tpu.memory_space<vmem>>
      %dma_wait3A_932 = arith.constant 128 : i32
      %dma_wait3A_933 = tpu.memref_slice %arg5[%dma_wait3A_924, %dma_wait3A_925, %dma_wait3A_932] : memref<2x4x200xi32, #tpu.memory_space<vmem>> -> memref<1x1x72xi32, #tpu.memory_space<vmem>>
      %dma_wait3A_934 = tpu.memref_squeeze %dma_wait3A_933 : memref<1x1x72xi32, #tpu.memory_space<vmem>> -> memref<72xi32, #tpu.memory_space<vmem>>
      %dma_wait3A_935 = arith.constant 0 : i32
      %dma_wait3A_936 = arith.constant 0 : i32
      %dma_wait3A_937 = tpu.memref_slice %arg2[%dma_wait3A_935, %dma_wait3A_936] : memref<1000000x64xf32, #tpu.memory_space<hbm>> -> memref<1000000x64xf32, #tpu.memory_space<hbm>>
      tpu.wait_indirect_dma semaphore(%arg8 : memref<!tpu.dma_semaphore, #tpu.memory_space<semaphore_mem>>) src(%dma_wait3A_937 : memref<1000000x64xf32, #tpu.memory_space<hbm>>) dst(%dma_wait3A_931 : memref<72x64xf32, #tpu.memory_space<vmem>>)
      %mul3A_938 = arith.constant 4 : i32
      %mul3A_939 = arith.muli %add3A_707, %mul3A_938 : i32
      %add3A_940 = arith.addi %mul3A_2, %mul3A_939 : i32
      %run_scoped3A_941 = arith.constant 1 : i32
      "tpu.region"() ({
        %run_scoped3A_942 = tpu.sem_alloc : memref<!tpu.dma_semaphore, #tpu.memory_space<semaphore_mem>>
        %dma_start3A_943 = arith.constant 0 : i32
        %dma_start3A_944 = arith.constant 0 : i32
        %dma_start3A_945 = arith.constant 0 : i32
        %dma_start3A_946 = tpu.memref_slice %arg6[%run_scoped3A_941, %dma_start3A_943, %dma_start3A_944, %dma_start3A_945] : memref<2x4x200x64xf32, #tpu.memory_space<vmem>> -> memref<1x4x200x64xf32, #tpu.memory_space<vmem>>
        %dma_start3A_947 = tpu.memref_squeeze %dma_start3A_946 : memref<1x4x200x64xf32, #tpu.memory_space<vmem>> -> memref<4x200x64xf32, #tpu.memory_space<vmem>>
        %dma_start3A_948 = arith.constant 0 : i32
        %dma_start3A_949 = arith.constant 0 : i32
        %dma_start3A_950 = tpu.memref_slice %arg4[%add3A_940, %dma_start3A_948, %dma_start3A_949] : memref<4096x200x64xf32, #tpu.memory_space<hbm>> -> memref<4x200x64xf32, #tpu.memory_space<hbm>>
        %dma_start3A_951 = arith.constant 0 : i32
        %dma_start3A_952 = arith.constant 0 : i32
        %dma_start3A_953 = tpu.memref_slice %arg4[%add3A_940, %dma_start3A_951, %dma_start3A_952] : memref<4096x200x64xf32, #tpu.memory_space<hbm>> -> memref<4x200x64xf32, #tpu.memory_space<hbm>>
        %dma_start3A_954 = arith.constant 0 : i32
        %dma_start3A_955 = arith.constant 0 : i32
        %dma_start3A_956 = arith.constant 0 : i32
        %dma_start3A_957 = tpu.memref_slice %arg6[%run_scoped3A_941, %dma_start3A_954, %dma_start3A_955, %dma_start3A_956] : memref<2x4x200x64xf32, #tpu.memory_space<vmem>> -> memref<1x4x200x64xf32, #tpu.memory_space<vmem>>
        %dma_start3A_958 = tpu.memref_squeeze %dma_start3A_957 : memref<1x4x200x64xf32, #tpu.memory_space<vmem>> -> memref<4x200x64xf32, #tpu.memory_space<vmem>>
        tpu.enqueue_dma source(%dma_start3A_958 : memref<4x200x64xf32, #tpu.memory_space<vmem>>) target(%dma_start3A_953 : memref<4x200x64xf32, #tpu.memory_space<hbm>>) target_semaphore(%run_scoped3A_942 : memref<!tpu.dma_semaphore, #tpu.memory_space<semaphore_mem>>)
        %dma_wait3A_959 = arith.constant 0 : i32
        %dma_wait3A_960 = arith.constant 0 : i32
        %dma_wait3A_961 = arith.constant 0 : i32
        %dma_wait3A_962 = tpu.memref_slice %arg6[%run_scoped3A_941, %dma_wait3A_959, %dma_wait3A_960, %dma_wait3A_961] : memref<2x4x200x64xf32, #tpu.memory_space<vmem>> -> memref<1x4x200x64xf32, #tpu.memory_space<vmem>>
        %dma_wait3A_963 = tpu.memref_squeeze %dma_wait3A_962 : memref<1x4x200x64xf32, #tpu.memory_space<vmem>> -> memref<4x200x64xf32, #tpu.memory_space<vmem>>
        %dma_wait3A_964 = arith.constant 0 : i32
        %dma_wait3A_965 = arith.constant 0 : i32
        %dma_wait3A_966 = tpu.memref_slice %arg4[%add3A_940, %dma_wait3A_964, %dma_wait3A_965] : memref<4096x200x64xf32, #tpu.memory_space<hbm>> -> memref<4x200x64xf32, #tpu.memory_space<hbm>>
        %dma_wait3A_967 = arith.constant 0 : i32
        %dma_wait3A_968 = arith.constant 0 : i32
        %dma_wait3A_969 = tpu.memref_slice %arg4[%add3A_940, %dma_wait3A_967, %dma_wait3A_968] : memref<4096x200x64xf32, #tpu.memory_space<hbm>> -> memref<4x200x64xf32, #tpu.memory_space<hbm>>
        %dma_wait3A_970 = arith.constant 0 : i32
        %dma_wait3A_971 = arith.constant 0 : i32
        %dma_wait3A_972 = arith.constant 0 : i32
        %dma_wait3A_973 = tpu.memref_slice %arg6[%run_scoped3A_941, %dma_wait3A_970, %dma_wait3A_971, %dma_wait3A_972] : memref<2x4x200x64xf32, #tpu.memory_space<vmem>> -> memref<1x4x200x64xf32, #tpu.memory_space<vmem>>
        %dma_wait3A_974 = tpu.memref_squeeze %dma_wait3A_973 : memref<1x4x200x64xf32, #tpu.memory_space<vmem>> -> memref<4x200x64xf32, #tpu.memory_space<vmem>>
        tpu.wait_dma2 semaphore(%run_scoped3A_942 : memref<!tpu.dma_semaphore, #tpu.memory_space<semaphore_mem>>) src(%dma_wait3A_974 : memref<4x200x64xf32, #tpu.memory_space<vmem>>) dst(%dma_wait3A_969 : memref<4x200x64xf32, #tpu.memory_space<hbm>>)
        tpu.yield
      }) : () -> ()
    }
    %scan3A_120 = arith.constant 15 : i32
    %add3A_121 = arith.constant 124 : i32
    %add3A_122 = arith.addi %mul3A_2, %add3A_121 : i32
    %run_scoped3A_123 = arith.constant 1 : i32
    "tpu.region"() ({
      %run_scoped3A_465 = tpu.sem_alloc : memref<!tpu.dma_semaphore, #tpu.memory_space<semaphore_mem>>
      %dma_start3A_466 = arith.constant 0 : i32
      %dma_start3A_467 = arith.constant 0 : i32
      %dma_start3A_468 = tpu.memref_slice %arg5[%run_scoped3A_123, %dma_start3A_466, %dma_start3A_467] : memref<2x4x200xi32, #tpu.memory_space<vmem>> -> memref<1x4x200xi32, #tpu.memory_space<vmem>>
      %dma_start3A_469 = tpu.memref_squeeze %dma_start3A_468 : memref<1x4x200xi32, #tpu.memory_space<vmem>> -> memref<4x200xi32, #tpu.memory_space<vmem>>
      %dma_start3A_470 = arith.constant 0 : i32
      %dma_start3A_471 = tpu.memref_slice %arg3[%add3A_122, %dma_start3A_470] : memref<4096x200xi32, #tpu.memory_space<hbm>> -> memref<4x200xi32, #tpu.memory_space<hbm>>
      %dma_start3A_472 = arith.constant 0 : i32
      %dma_start3A_473 = arith.constant 0 : i32
      %dma_start3A_474 = tpu.memref_slice %arg5[%run_scoped3A_123, %dma_start3A_472, %dma_start3A_473] : memref<2x4x200xi32, #tpu.memory_space<vmem>> -> memref<1x4x200xi32, #tpu.memory_space<vmem>>
      %dma_start3A_475 = tpu.memref_squeeze %dma_start3A_474 : memref<1x4x200xi32, #tpu.memory_space<vmem>> -> memref<4x200xi32, #tpu.memory_space<vmem>>
      %dma_start3A_476 = arith.constant 0 : i32
      %dma_start3A_477 = tpu.memref_slice %arg3[%add3A_122, %dma_start3A_476] : memref<4096x200xi32, #tpu.memory_space<hbm>> -> memref<4x200xi32, #tpu.memory_space<hbm>>
      tpu.enqueue_dma source(%dma_start3A_477 : memref<4x200xi32, #tpu.memory_space<hbm>>) target(%dma_start3A_475 : memref<4x200xi32, #tpu.memory_space<vmem>>) target_semaphore(%run_scoped3A_465 : memref<!tpu.dma_semaphore, #tpu.memory_space<semaphore_mem>>)
      %dma_wait3A_478 = arith.constant 0 : i32
      %dma_wait3A_479 = arith.constant 0 : i32
      %dma_wait3A_480 = tpu.memref_slice %arg5[%run_scoped3A_123, %dma_wait3A_478, %dma_wait3A_479] : memref<2x4x200xi32, #tpu.memory_space<vmem>> -> memref<1x4x200xi32, #tpu.memory_space<vmem>>
      %dma_wait3A_481 = tpu.memref_squeeze %dma_wait3A_480 : memref<1x4x200xi32, #tpu.memory_space<vmem>> -> memref<4x200xi32, #tpu.memory_space<vmem>>
      %dma_wait3A_482 = arith.constant 0 : i32
      %dma_wait3A_483 = tpu.memref_slice %arg3[%add3A_122, %dma_wait3A_482] : memref<4096x200xi32, #tpu.memory_space<hbm>> -> memref<4x200xi32, #tpu.memory_space<hbm>>
      %dma_wait3A_484 = arith.constant 0 : i32
      %dma_wait3A_485 = arith.constant 0 : i32
      %dma_wait3A_486 = tpu.memref_slice %arg5[%run_scoped3A_123, %dma_wait3A_484, %dma_wait3A_485] : memref<2x4x200xi32, #tpu.memory_space<vmem>> -> memref<1x4x200xi32, #tpu.memory_space<vmem>>
      %dma_wait3A_487 = tpu.memref_squeeze %dma_wait3A_486 : memref<1x4x200xi32, #tpu.memory_space<vmem>> -> memref<4x200xi32, #tpu.memory_space<vmem>>
      %dma_wait3A_488 = arith.constant 0 : i32
      %dma_wait3A_489 = tpu.memref_slice %arg3[%add3A_122, %dma_wait3A_488] : memref<4096x200xi32, #tpu.memory_space<hbm>> -> memref<4x200xi32, #tpu.memory_space<hbm>>
      tpu.wait_dma2 semaphore(%run_scoped3A_465 : memref<!tpu.dma_semaphore, #tpu.memory_space<semaphore_mem>>) src(%dma_wait3A_489 : memref<4x200xi32, #tpu.memory_space<hbm>>) dst(%dma_wait3A_487 : memref<4x200xi32, #tpu.memory_space<vmem>>)
      tpu.yield
    }) : () -> ()
    %dma_start3A_124 = arith.constant 1 : i32
    %dma_start3A_125 = arith.constant 0 : i32
    %dma_start3A_126 = arith.constant 1 : i32
    %dma_start3A_127 = arith.constant 0 : i32
    %dma_start3A_128 = arith.constant 0 : i32
    %dma_start3A_129 = arith.constant 0 : i32
    %dma_start3A_130 = tpu.memref_slice %arg6[%dma_start3A_126, %dma_start3A_127, %dma_start3A_128, %dma_start3A_129] : memref<2x4x200x64xf32, #tpu.memory_space<vmem>> -> memref<1x1x128x64xf32, #tpu.memory_space<vmem>>
    %dma_start3A_131 = tpu.memref_squeeze %dma_start3A_130 : memref<1x1x128x64xf32, #tpu.memory_space<vmem>> -> memref<128x64xf32, #tpu.memory_space<vmem>>
    %dma_start3A_132 = arith.constant 0 : i32
    %dma_start3A_133 = tpu.memref_slice %arg5[%dma_start3A_124, %dma_start3A_125, %dma_start3A_132] : memref<2x4x200xi32, #tpu.memory_space<vmem>> -> memref<1x1x128xi32, #tpu.memory_space<vmem>>
    %dma_start3A_134 = tpu.memref_squeeze %dma_start3A_133 : memref<1x1x128xi32, #tpu.memory_space<vmem>> -> memref<128xi32, #tpu.memory_space<vmem>>
    %dma_start3A_135 = arith.constant 0 : i32
    %dma_start3A_136 = arith.constant 0 : i32
    %dma_start3A_137 = tpu.memref_slice %arg2[%dma_start3A_135, %dma_start3A_136] : memref<1000000x64xf32, #tpu.memory_space<hbm>> -> memref<1000000x64xf32, #tpu.memory_space<hbm>>
    tpu.enqueue_indirect_dma source(%dma_start3A_137 : memref<1000000x64xf32, #tpu.memory_space<hbm>>) target(%dma_start3A_131 : memref<128x64xf32, #tpu.memory_space<vmem>>) offsets(%dma_start3A_134 : memref<128xi32, #tpu.memory_space<vmem>>) semaphore(%arg8 : memref<!tpu.dma_semaphore, #tpu.memory_space<semaphore_mem>>)
    %dma_start3A_138 = arith.constant 1 : i32
    %dma_start3A_139 = arith.constant 0 : i32
    %dma_start3A_140 = arith.constant 1 : i32
    %dma_start3A_141 = arith.constant 0 : i32
    %dma_start3A_142 = arith.constant 128 : i32
    %dma_start3A_143 = arith.constant 0 : i32
    %dma_start3A_144 = tpu.memref_slice %arg6[%dma_start3A_140, %dma_start3A_141, %dma_start3A_142, %dma_start3A_143] : memref<2x4x200x64xf32, #tpu.memory_space<vmem>> -> memref<1x1x72x64xf32, #tpu.memory_space<vmem>>
    %dma_start3A_145 = tpu.memref_squeeze %dma_start3A_144 : memref<1x1x72x64xf32, #tpu.memory_space<vmem>> -> memref<72x64xf32, #tpu.memory_space<vmem>>
    %dma_start3A_146 = arith.constant 128 : i32
    %dma_start3A_147 = tpu.memref_slice %arg5[%dma_start3A_138, %dma_start3A_139, %dma_start3A_146] : memref<2x4x200xi32, #tpu.memory_space<vmem>> -> memref<1x1x72xi32, #tpu.memory_space<vmem>>
    %dma_start3A_148 = tpu.memref_squeeze %dma_start3A_147 : memref<1x1x72xi32, #tpu.memory_space<vmem>> -> memref<72xi32, #tpu.memory_space<vmem>>
    %dma_start3A_149 = arith.constant 0 : i32
    %dma_start3A_150 = arith.constant 0 : i32
    %dma_start3A_151 = tpu.memref_slice %arg2[%dma_start3A_149, %dma_start3A_150] : memref<1000000x64xf32, #tpu.memory_space<hbm>> -> memref<1000000x64xf32, #tpu.memory_space<hbm>>
    tpu.enqueue_indirect_dma source(%dma_start3A_151 : memref<1000000x64xf32, #tpu.memory_space<hbm>>) target(%dma_start3A_145 : memref<72x64xf32, #tpu.memory_space<vmem>>) offsets(%dma_start3A_148 : memref<72xi32, #tpu.memory_space<vmem>>) semaphore(%arg8 : memref<!tpu.dma_semaphore, #tpu.memory_space<semaphore_mem>>)
    %dma_start3A_152 = arith.constant 1 : i32
    %dma_start3A_153 = arith.constant 1 : i32
    %dma_start3A_154 = arith.constant 1 : i32
    %dma_start3A_155 = arith.constant 1 : i32
    %dma_start3A_156 = arith.constant 0 : i32
    %dma_start3A_157 = arith.constant 0 : i32
    %dma_start3A_158 = tpu.memref_slice %arg6[%dma_start3A_154, %dma_start3A_155, %dma_start3A_156, %dma_start3A_157] : memref<2x4x200x64xf32, #tpu.memory_space<vmem>> -> memref<1x1x128x64xf32, #tpu.memory_space<vmem>>
    %dma_start3A_159 = tpu.memref_squeeze %dma_start3A_158 : memref<1x1x128x64xf32, #tpu.memory_space<vmem>> -> memref<128x64xf32, #tpu.memory_space<vmem>>
    %dma_start3A_160 = arith.constant 0 : i32
    %dma_start3A_161 = tpu.memref_slice %arg5[%dma_start3A_152, %dma_start3A_153, %dma_start3A_160] : memref<2x4x200xi32, #tpu.memory_space<vmem>> -> memref<1x1x128xi32, #tpu.memory_space<vmem>>
    %dma_start3A_162 = tpu.memref_squeeze %dma_start3A_161 : memref<1x1x128xi32, #tpu.memory_space<vmem>> -> memref<128xi32, #tpu.memory_space<vmem>>
    %dma_start3A_163 = arith.constant 0 : i32
    %dma_start3A_164 = arith.constant 0 : i32
    %dma_start3A_165 = tpu.memref_slice %arg2[%dma_start3A_163, %dma_start3A_164] : memref<1000000x64xf32, #tpu.memory_space<hbm>> -> memref<1000000x64xf32, #tpu.memory_space<hbm>>
    tpu.enqueue_indirect_dma source(%dma_start3A_165 : memref<1000000x64xf32, #tpu.memory_space<hbm>>) target(%dma_start3A_159 : memref<128x64xf32, #tpu.memory_space<vmem>>) offsets(%dma_start3A_162 : memref<128xi32, #tpu.memory_space<vmem>>) semaphore(%arg8 : memref<!tpu.dma_semaphore, #tpu.memory_space<semaphore_mem>>)
    %dma_start3A_166 = arith.constant 1 : i32
    %dma_start3A_167 = arith.constant 1 : i32
    %dma_start3A_168 = arith.constant 1 : i32
    %dma_start3A_169 = arith.constant 1 : i32
    %dma_start3A_170 = arith.constant 128 : i32
    %dma_start3A_171 = arith.constant 0 : i32
    %dma_start3A_172 = tpu.memref_slice %arg6[%dma_start3A_168, %dma_start3A_169, %dma_start3A_170, %dma_start3A_171] : memref<2x4x200x64xf32, #tpu.memory_space<vmem>> -> memref<1x1x72x64xf32, #tpu.memory_space<vmem>>
    %dma_start3A_173 = tpu.memref_squeeze %dma_start3A_172 : memref<1x1x72x64xf32, #tpu.memory_space<vmem>> -> memref<72x64xf32, #tpu.memory_space<vmem>>
    %dma_start3A_174 = arith.constant 128 : i32
    %dma_start3A_175 = tpu.memref_slice %arg5[%dma_start3A_166, %dma_start3A_167, %dma_start3A_174] : memref<2x4x200xi32, #tpu.memory_space<vmem>> -> memref<1x1x72xi32, #tpu.memory_space<vmem>>
    %dma_start3A_176 = tpu.memref_squeeze %dma_start3A_175 : memref<1x1x72xi32, #tpu.memory_space<vmem>> -> memref<72xi32, #tpu.memory_space<vmem>>
    %dma_start3A_177 = arith.constant 0 : i32
    %dma_start3A_178 = arith.constant 0 : i32
    %dma_start3A_179 = tpu.memref_slice %arg2[%dma_start3A_177, %dma_start3A_178] : memref<1000000x64xf32, #tpu.memory_space<hbm>> -> memref<1000000x64xf32, #tpu.memory_space<hbm>>
    tpu.enqueue_indirect_dma source(%dma_start3A_179 : memref<1000000x64xf32, #tpu.memory_space<hbm>>) target(%dma_start3A_173 : memref<72x64xf32, #tpu.memory_space<vmem>>) offsets(%dma_start3A_176 : memref<72xi32, #tpu.memory_space<vmem>>) semaphore(%arg8 : memref<!tpu.dma_semaphore, #tpu.memory_space<semaphore_mem>>)
    %dma_start3A_180 = arith.constant 1 : i32
    %dma_start3A_181 = arith.constant 2 : i32
    %dma_start3A_182 = arith.constant 1 : i32
    %dma_start3A_183 = arith.constant 2 : i32
    %dma_start3A_184 = arith.constant 0 : i32
    %dma_start3A_185 = arith.constant 0 : i32
    %dma_start3A_186 = tpu.memref_slice %arg6[%dma_start3A_182, %dma_start3A_183, %dma_start3A_184, %dma_start3A_185] : memref<2x4x200x64xf32, #tpu.memory_space<vmem>> -> memref<1x1x128x64xf32, #tpu.memory_space<vmem>>
    %dma_start3A_187 = tpu.memref_squeeze %dma_start3A_186 : memref<1x1x128x64xf32, #tpu.memory_space<vmem>> -> memref<128x64xf32, #tpu.memory_space<vmem>>
    %dma_start3A_188 = arith.constant 0 : i32
    %dma_start3A_189 = tpu.memref_slice %arg5[%dma_start3A_180, %dma_start3A_181, %dma_start3A_188] : memref<2x4x200xi32, #tpu.memory_space<vmem>> -> memref<1x1x128xi32, #tpu.memory_space<vmem>>
    %dma_start3A_190 = tpu.memref_squeeze %dma_start3A_189 : memref<1x1x128xi32, #tpu.memory_space<vmem>> -> memref<128xi32, #tpu.memory_space<vmem>>
    %dma_start3A_191 = arith.constant 0 : i32
    %dma_start3A_192 = arith.constant 0 : i32
    %dma_start3A_193 = tpu.memref_slice %arg2[%dma_start3A_191, %dma_start3A_192] : memref<1000000x64xf32, #tpu.memory_space<hbm>> -> memref<1000000x64xf32, #tpu.memory_space<hbm>>
    tpu.enqueue_indirect_dma source(%dma_start3A_193 : memref<1000000x64xf32, #tpu.memory_space<hbm>>) target(%dma_start3A_187 : memref<128x64xf32, #tpu.memory_space<vmem>>) offsets(%dma_start3A_190 : memref<128xi32, #tpu.memory_space<vmem>>) semaphore(%arg8 : memref<!tpu.dma_semaphore, #tpu.memory_space<semaphore_mem>>)
    %dma_start3A_194 = arith.constant 1 : i32
    %dma_start3A_195 = arith.constant 2 : i32
    %dma_start3A_196 = arith.constant 1 : i32
    %dma_start3A_197 = arith.constant 2 : i32
    %dma_start3A_198 = arith.constant 128 : i32
    %dma_start3A_199 = arith.constant 0 : i32
    %dma_start3A_200 = tpu.memref_slice %arg6[%dma_start3A_196, %dma_start3A_197, %dma_start3A_198, %dma_start3A_199] : memref<2x4x200x64xf32, #tpu.memory_space<vmem>> -> memref<1x1x72x64xf32, #tpu.memory_space<vmem>>
    %dma_start3A_201 = tpu.memref_squeeze %dma_start3A_200 : memref<1x1x72x64xf32, #tpu.memory_space<vmem>> -> memref<72x64xf32, #tpu.memory_space<vmem>>
    %dma_start3A_202 = arith.constant 128 : i32
    %dma_start3A_203 = tpu.memref_slice %arg5[%dma_start3A_194, %dma_start3A_195, %dma_start3A_202] : memref<2x4x200xi32, #tpu.memory_space<vmem>> -> memref<1x1x72xi32, #tpu.memory_space<vmem>>
    %dma_start3A_204 = tpu.memref_squeeze %dma_start3A_203 : memref<1x1x72xi32, #tpu.memory_space<vmem>> -> memref<72xi32, #tpu.memory_space<vmem>>
    %dma_start3A_205 = arith.constant 0 : i32
    %dma_start3A_206 = arith.constant 0 : i32
    %dma_start3A_207 = tpu.memref_slice %arg2[%dma_start3A_205, %dma_start3A_206] : memref<1000000x64xf32, #tpu.memory_space<hbm>> -> memref<1000000x64xf32, #tpu.memory_space<hbm>>
    tpu.enqueue_indirect_dma source(%dma_start3A_207 : memref<1000000x64xf32, #tpu.memory_space<hbm>>) target(%dma_start3A_201 : memref<72x64xf32, #tpu.memory_space<vmem>>) offsets(%dma_start3A_204 : memref<72xi32, #tpu.memory_space<vmem>>) semaphore(%arg8 : memref<!tpu.dma_semaphore, #tpu.memory_space<semaphore_mem>>)
    %dma_start3A_208 = arith.constant 1 : i32
    %dma_start3A_209 = arith.constant 3 : i32
    %dma_start3A_210 = arith.constant 1 : i32
    %dma_start3A_211 = arith.constant 3 : i32
    %dma_start3A_212 = arith.constant 0 : i32
    %dma_start3A_213 = arith.constant 0 : i32
    %dma_start3A_214 = tpu.memref_slice %arg6[%dma_start3A_210, %dma_start3A_211, %dma_start3A_212, %dma_start3A_213] : memref<2x4x200x64xf32, #tpu.memory_space<vmem>> -> memref<1x1x128x64xf32, #tpu.memory_space<vmem>>
    %dma_start3A_215 = tpu.memref_squeeze %dma_start3A_214 : memref<1x1x128x64xf32, #tpu.memory_space<vmem>> -> memref<128x64xf32, #tpu.memory_space<vmem>>
    %dma_start3A_216 = arith.constant 0 : i32
    %dma_start3A_217 = tpu.memref_slice %arg5[%dma_start3A_208, %dma_start3A_209, %dma_start3A_216] : memref<2x4x200xi32, #tpu.memory_space<vmem>> -> memref<1x1x128xi32, #tpu.memory_space<vmem>>
    %dma_start3A_218 = tpu.memref_squeeze %dma_start3A_217 : memref<1x1x128xi32, #tpu.memory_space<vmem>> -> memref<128xi32, #tpu.memory_space<vmem>>
    %dma_start3A_219 = arith.constant 0 : i32
    %dma_start3A_220 = arith.constant 0 : i32
    %dma_start3A_221 = tpu.memref_slice %arg2[%dma_start3A_219, %dma_start3A_220] : memref<1000000x64xf32, #tpu.memory_space<hbm>> -> memref<1000000x64xf32, #tpu.memory_space<hbm>>
    tpu.enqueue_indirect_dma source(%dma_start3A_221 : memref<1000000x64xf32, #tpu.memory_space<hbm>>) target(%dma_start3A_215 : memref<128x64xf32, #tpu.memory_space<vmem>>) offsets(%dma_start3A_218 : memref<128xi32, #tpu.memory_space<vmem>>) semaphore(%arg8 : memref<!tpu.dma_semaphore, #tpu.memory_space<semaphore_mem>>)
    %dma_start3A_222 = arith.constant 1 : i32
    %dma_start3A_223 = arith.constant 3 : i32
    %dma_start3A_224 = arith.constant 1 : i32
    %dma_start3A_225 = arith.constant 3 : i32
    %dma_start3A_226 = arith.constant 128 : i32
    %dma_start3A_227 = arith.constant 0 : i32
    %dma_start3A_228 = tpu.memref_slice %arg6[%dma_start3A_224, %dma_start3A_225, %dma_start3A_226, %dma_start3A_227] : memref<2x4x200x64xf32, #tpu.memory_space<vmem>> -> memref<1x1x72x64xf32, #tpu.memory_space<vmem>>
    %dma_start3A_229 = tpu.memref_squeeze %dma_start3A_228 : memref<1x1x72x64xf32, #tpu.memory_space<vmem>> -> memref<72x64xf32, #tpu.memory_space<vmem>>
    %dma_start3A_230 = arith.constant 128 : i32
    %dma_start3A_231 = tpu.memref_slice %arg5[%dma_start3A_222, %dma_start3A_223, %dma_start3A_230] : memref<2x4x200xi32, #tpu.memory_space<vmem>> -> memref<1x1x72xi32, #tpu.memory_space<vmem>>
    %dma_start3A_232 = tpu.memref_squeeze %dma_start3A_231 : memref<1x1x72xi32, #tpu.memory_space<vmem>> -> memref<72xi32, #tpu.memory_space<vmem>>
    %dma_start3A_233 = arith.constant 0 : i32
    %dma_start3A_234 = arith.constant 0 : i32
    %dma_start3A_235 = tpu.memref_slice %arg2[%dma_start3A_233, %dma_start3A_234] : memref<1000000x64xf32, #tpu.memory_space<hbm>> -> memref<1000000x64xf32, #tpu.memory_space<hbm>>
    tpu.enqueue_indirect_dma source(%dma_start3A_235 : memref<1000000x64xf32, #tpu.memory_space<hbm>>) target(%dma_start3A_229 : memref<72x64xf32, #tpu.memory_space<vmem>>) offsets(%dma_start3A_232 : memref<72xi32, #tpu.memory_space<vmem>>) semaphore(%arg8 : memref<!tpu.dma_semaphore, #tpu.memory_space<semaphore_mem>>)
    %dma_wait3A = arith.constant 0 : i32
    %dma_wait3A_236 = arith.constant 0 : i32
    %dma_wait3A_237 = arith.constant 0 : i32
    %dma_wait3A_238 = arith.constant 0 : i32
    %dma_wait3A_239 = arith.constant 0 : i32
    %dma_wait3A_240 = arith.constant 0 : i32
    %dma_wait3A_241 = tpu.memref_slice %arg6[%dma_wait3A_237, %dma_wait3A_238, %dma_wait3A_239, %dma_wait3A_240] : memref<2x4x200x64xf32, #tpu.memory_space<vmem>> -> memref<1x1x128x64xf32, #tpu.memory_space<vmem>>
    %dma_wait3A_242 = tpu.memref_squeeze %dma_wait3A_241 : memref<1x1x128x64xf32, #tpu.memory_space<vmem>> -> memref<128x64xf32, #tpu.memory_space<vmem>>
    %dma_wait3A_243 = arith.constant 0 : i32
    %dma_wait3A_244 = tpu.memref_slice %arg5[%dma_wait3A, %dma_wait3A_236, %dma_wait3A_243] : memref<2x4x200xi32, #tpu.memory_space<vmem>> -> memref<1x1x128xi32, #tpu.memory_space<vmem>>
    %dma_wait3A_245 = tpu.memref_squeeze %dma_wait3A_244 : memref<1x1x128xi32, #tpu.memory_space<vmem>> -> memref<128xi32, #tpu.memory_space<vmem>>
    %dma_wait3A_246 = arith.constant 0 : i32
    %dma_wait3A_247 = arith.constant 0 : i32
    %dma_wait3A_248 = tpu.memref_slice %arg2[%dma_wait3A_246, %dma_wait3A_247] : memref<1000000x64xf32, #tpu.memory_space<hbm>> -> memref<1000000x64xf32, #tpu.memory_space<hbm>>
    tpu.wait_indirect_dma semaphore(%arg7 : memref<!tpu.dma_semaphore, #tpu.memory_space<semaphore_mem>>) src(%dma_wait3A_248 : memref<1000000x64xf32, #tpu.memory_space<hbm>>) dst(%dma_wait3A_242 : memref<128x64xf32, #tpu.memory_space<vmem>>)
    %dma_wait3A_249 = arith.constant 0 : i32
    %dma_wait3A_250 = arith.constant 0 : i32
    %dma_wait3A_251 = arith.constant 0 : i32
    %dma_wait3A_252 = arith.constant 0 : i32
    %dma_wait3A_253 = arith.constant 128 : i32
    %dma_wait3A_254 = arith.constant 0 : i32
    %dma_wait3A_255 = tpu.memref_slice %arg6[%dma_wait3A_251, %dma_wait3A_252, %dma_wait3A_253, %dma_wait3A_254] : memref<2x4x200x64xf32, #tpu.memory_space<vmem>> -> memref<1x1x72x64xf32, #tpu.memory_space<vmem>>
    %dma_wait3A_256 = tpu.memref_squeeze %dma_wait3A_255 : memref<1x1x72x64xf32, #tpu.memory_space<vmem>> -> memref<72x64xf32, #tpu.memory_space<vmem>>
    %dma_wait3A_257 = arith.constant 128 : i32
    %dma_wait3A_258 = tpu.memref_slice %arg5[%dma_wait3A_249, %dma_wait3A_250, %dma_wait3A_257] : memref<2x4x200xi32, #tpu.memory_space<vmem>> -> memref<1x1x72xi32, #tpu.memory_space<vmem>>
    %dma_wait3A_259 = tpu.memref_squeeze %dma_wait3A_258 : memref<1x1x72xi32, #tpu.memory_space<vmem>> -> memref<72xi32, #tpu.memory_space<vmem>>
    %dma_wait3A_260 = arith.constant 0 : i32
    %dma_wait3A_261 = arith.constant 0 : i32
    %dma_wait3A_262 = tpu.memref_slice %arg2[%dma_wait3A_260, %dma_wait3A_261] : memref<1000000x64xf32, #tpu.memory_space<hbm>> -> memref<1000000x64xf32, #tpu.memory_space<hbm>>
    tpu.wait_indirect_dma semaphore(%arg7 : memref<!tpu.dma_semaphore, #tpu.memory_space<semaphore_mem>>) src(%dma_wait3A_262 : memref<1000000x64xf32, #tpu.memory_space<hbm>>) dst(%dma_wait3A_256 : memref<72x64xf32, #tpu.memory_space<vmem>>)
    %dma_wait3A_263 = arith.constant 0 : i32
    %dma_wait3A_264 = arith.constant 1 : i32
    %dma_wait3A_265 = arith.constant 0 : i32
    %dma_wait3A_266 = arith.constant 1 : i32
    %dma_wait3A_267 = arith.constant 0 : i32
    %dma_wait3A_268 = arith.constant 0 : i32
    %dma_wait3A_269 = tpu.memref_slice %arg6[%dma_wait3A_265, %dma_wait3A_266, %dma_wait3A_267, %dma_wait3A_268] : memref<2x4x200x64xf32, #tpu.memory_space<vmem>> -> memref<1x1x128x64xf32, #tpu.memory_space<vmem>>
    %dma_wait3A_270 = tpu.memref_squeeze %dma_wait3A_269 : memref<1x1x128x64xf32, #tpu.memory_space<vmem>> -> memref<128x64xf32, #tpu.memory_space<vmem>>
    %dma_wait3A_271 = arith.constant 0 : i32
    %dma_wait3A_272 = tpu.memref_slice %arg5[%dma_wait3A_263, %dma_wait3A_264, %dma_wait3A_271] : memref<2x4x200xi32, #tpu.memory_space<vmem>> -> memref<1x1x128xi32, #tpu.memory_space<vmem>>
    %dma_wait3A_273 = tpu.memref_squeeze %dma_wait3A_272 : memref<1x1x128xi32, #tpu.memory_space<vmem>> -> memref<128xi32, #tpu.memory_space<vmem>>
    %dma_wait3A_274 = arith.constant 0 : i32
    %dma_wait3A_275 = arith.constant 0 : i32
    %dma_wait3A_276 = tpu.memref_slice %arg2[%dma_wait3A_274, %dma_wait3A_275] : memref<1000000x64xf32, #tpu.memory_space<hbm>> -> memref<1000000x64xf32, #tpu.memory_space<hbm>>
    tpu.wait_indirect_dma semaphore(%arg7 : memref<!tpu.dma_semaphore, #tpu.memory_space<semaphore_mem>>) src(%dma_wait3A_276 : memref<1000000x64xf32, #tpu.memory_space<hbm>>) dst(%dma_wait3A_270 : memref<128x64xf32, #tpu.memory_space<vmem>>)
    %dma_wait3A_277 = arith.constant 0 : i32
    %dma_wait3A_278 = arith.constant 1 : i32
    %dma_wait3A_279 = arith.constant 0 : i32
    %dma_wait3A_280 = arith.constant 1 : i32
    %dma_wait3A_281 = arith.constant 128 : i32
    %dma_wait3A_282 = arith.constant 0 : i32
    %dma_wait3A_283 = tpu.memref_slice %arg6[%dma_wait3A_279, %dma_wait3A_280, %dma_wait3A_281, %dma_wait3A_282] : memref<2x4x200x64xf32, #tpu.memory_space<vmem>> -> memref<1x1x72x64xf32, #tpu.memory_space<vmem>>
    %dma_wait3A_284 = tpu.memref_squeeze %dma_wait3A_283 : memref<1x1x72x64xf32, #tpu.memory_space<vmem>> -> memref<72x64xf32, #tpu.memory_space<vmem>>
    %dma_wait3A_285 = arith.constant 128 : i32
    %dma_wait3A_286 = tpu.memref_slice %arg5[%dma_wait3A_277, %dma_wait3A_278, %dma_wait3A_285] : memref<2x4x200xi32, #tpu.memory_space<vmem>> -> memref<1x1x72xi32, #tpu.memory_space<vmem>>
    %dma_wait3A_287 = tpu.memref_squeeze %dma_wait3A_286 : memref<1x1x72xi32, #tpu.memory_space<vmem>> -> memref<72xi32, #tpu.memory_space<vmem>>
    %dma_wait3A_288 = arith.constant 0 : i32
    %dma_wait3A_289 = arith.constant 0 : i32
    %dma_wait3A_290 = tpu.memref_slice %arg2[%dma_wait3A_288, %dma_wait3A_289] : memref<1000000x64xf32, #tpu.memory_space<hbm>> -> memref<1000000x64xf32, #tpu.memory_space<hbm>>
    tpu.wait_indirect_dma semaphore(%arg7 : memref<!tpu.dma_semaphore, #tpu.memory_space<semaphore_mem>>) src(%dma_wait3A_290 : memref<1000000x64xf32, #tpu.memory_space<hbm>>) dst(%dma_wait3A_284 : memref<72x64xf32, #tpu.memory_space<vmem>>)
    %dma_wait3A_291 = arith.constant 0 : i32
    %dma_wait3A_292 = arith.constant 2 : i32
    %dma_wait3A_293 = arith.constant 0 : i32
    %dma_wait3A_294 = arith.constant 2 : i32
    %dma_wait3A_295 = arith.constant 0 : i32
    %dma_wait3A_296 = arith.constant 0 : i32
    %dma_wait3A_297 = tpu.memref_slice %arg6[%dma_wait3A_293, %dma_wait3A_294, %dma_wait3A_295, %dma_wait3A_296] : memref<2x4x200x64xf32, #tpu.memory_space<vmem>> -> memref<1x1x128x64xf32, #tpu.memory_space<vmem>>
    %dma_wait3A_298 = tpu.memref_squeeze %dma_wait3A_297 : memref<1x1x128x64xf32, #tpu.memory_space<vmem>> -> memref<128x64xf32, #tpu.memory_space<vmem>>
    %dma_wait3A_299 = arith.constant 0 : i32
    %dma_wait3A_300 = tpu.memref_slice %arg5[%dma_wait3A_291, %dma_wait3A_292, %dma_wait3A_299] : memref<2x4x200xi32, #tpu.memory_space<vmem>> -> memref<1x1x128xi32, #tpu.memory_space<vmem>>
    %dma_wait3A_301 = tpu.memref_squeeze %dma_wait3A_300 : memref<1x1x128xi32, #tpu.memory_space<vmem>> -> memref<128xi32, #tpu.memory_space<vmem>>
    %dma_wait3A_302 = arith.constant 0 : i32
    %dma_wait3A_303 = arith.constant 0 : i32
    %dma_wait3A_304 = tpu.memref_slice %arg2[%dma_wait3A_302, %dma_wait3A_303] : memref<1000000x64xf32, #tpu.memory_space<hbm>> -> memref<1000000x64xf32, #tpu.memory_space<hbm>>
    tpu.wait_indirect_dma semaphore(%arg7 : memref<!tpu.dma_semaphore, #tpu.memory_space<semaphore_mem>>) src(%dma_wait3A_304 : memref<1000000x64xf32, #tpu.memory_space<hbm>>) dst(%dma_wait3A_298 : memref<128x64xf32, #tpu.memory_space<vmem>>)
    %dma_wait3A_305 = arith.constant 0 : i32
    %dma_wait3A_306 = arith.constant 2 : i32
    %dma_wait3A_307 = arith.constant 0 : i32
    %dma_wait3A_308 = arith.constant 2 : i32
    %dma_wait3A_309 = arith.constant 128 : i32
    %dma_wait3A_310 = arith.constant 0 : i32
    %dma_wait3A_311 = tpu.memref_slice %arg6[%dma_wait3A_307, %dma_wait3A_308, %dma_wait3A_309, %dma_wait3A_310] : memref<2x4x200x64xf32, #tpu.memory_space<vmem>> -> memref<1x1x72x64xf32, #tpu.memory_space<vmem>>
    %dma_wait3A_312 = tpu.memref_squeeze %dma_wait3A_311 : memref<1x1x72x64xf32, #tpu.memory_space<vmem>> -> memref<72x64xf32, #tpu.memory_space<vmem>>
    %dma_wait3A_313 = arith.constant 128 : i32
    %dma_wait3A_314 = tpu.memref_slice %arg5[%dma_wait3A_305, %dma_wait3A_306, %dma_wait3A_313] : memref<2x4x200xi32, #tpu.memory_space<vmem>> -> memref<1x1x72xi32, #tpu.memory_space<vmem>>
    %dma_wait3A_315 = tpu.memref_squeeze %dma_wait3A_314 : memref<1x1x72xi32, #tpu.memory_space<vmem>> -> memref<72xi32, #tpu.memory_space<vmem>>
    %dma_wait3A_316 = arith.constant 0 : i32
    %dma_wait3A_317 = arith.constant 0 : i32
    %dma_wait3A_318 = tpu.memref_slice %arg2[%dma_wait3A_316, %dma_wait3A_317] : memref<1000000x64xf32, #tpu.memory_space<hbm>> -> memref<1000000x64xf32, #tpu.memory_space<hbm>>
    tpu.wait_indirect_dma semaphore(%arg7 : memref<!tpu.dma_semaphore, #tpu.memory_space<semaphore_mem>>) src(%dma_wait3A_318 : memref<1000000x64xf32, #tpu.memory_space<hbm>>) dst(%dma_wait3A_312 : memref<72x64xf32, #tpu.memory_space<vmem>>)
    %dma_wait3A_319 = arith.constant 0 : i32
    %dma_wait3A_320 = arith.constant 3 : i32
    %dma_wait3A_321 = arith.constant 0 : i32
    %dma_wait3A_322 = arith.constant 3 : i32
    %dma_wait3A_323 = arith.constant 0 : i32
    %dma_wait3A_324 = arith.constant 0 : i32
    %dma_wait3A_325 = tpu.memref_slice %arg6[%dma_wait3A_321, %dma_wait3A_322, %dma_wait3A_323, %dma_wait3A_324] : memref<2x4x200x64xf32, #tpu.memory_space<vmem>> -> memref<1x1x128x64xf32, #tpu.memory_space<vmem>>
    %dma_wait3A_326 = tpu.memref_squeeze %dma_wait3A_325 : memref<1x1x128x64xf32, #tpu.memory_space<vmem>> -> memref<128x64xf32, #tpu.memory_space<vmem>>
    %dma_wait3A_327 = arith.constant 0 : i32
    %dma_wait3A_328 = tpu.memref_slice %arg5[%dma_wait3A_319, %dma_wait3A_320, %dma_wait3A_327] : memref<2x4x200xi32, #tpu.memory_space<vmem>> -> memref<1x1x128xi32, #tpu.memory_space<vmem>>
    %dma_wait3A_329 = tpu.memref_squeeze %dma_wait3A_328 : memref<1x1x128xi32, #tpu.memory_space<vmem>> -> memref<128xi32, #tpu.memory_space<vmem>>
    %dma_wait3A_330 = arith.constant 0 : i32
    %dma_wait3A_331 = arith.constant 0 : i32
    %dma_wait3A_332 = tpu.memref_slice %arg2[%dma_wait3A_330, %dma_wait3A_331] : memref<1000000x64xf32, #tpu.memory_space<hbm>> -> memref<1000000x64xf32, #tpu.memory_space<hbm>>
    tpu.wait_indirect_dma semaphore(%arg7 : memref<!tpu.dma_semaphore, #tpu.memory_space<semaphore_mem>>) src(%dma_wait3A_332 : memref<1000000x64xf32, #tpu.memory_space<hbm>>) dst(%dma_wait3A_326 : memref<128x64xf32, #tpu.memory_space<vmem>>)
    %dma_wait3A_333 = arith.constant 0 : i32
    %dma_wait3A_334 = arith.constant 3 : i32
    %dma_wait3A_335 = arith.constant 0 : i32
    %dma_wait3A_336 = arith.constant 3 : i32
    %dma_wait3A_337 = arith.constant 128 : i32
    %dma_wait3A_338 = arith.constant 0 : i32
    %dma_wait3A_339 = tpu.memref_slice %arg6[%dma_wait3A_335, %dma_wait3A_336, %dma_wait3A_337, %dma_wait3A_338] : memref<2x4x200x64xf32, #tpu.memory_space<vmem>> -> memref<1x1x72x64xf32, #tpu.memory_space<vmem>>
    %dma_wait3A_340 = tpu.memref_squeeze %dma_wait3A_339 : memref<1x1x72x64xf32, #tpu.memory_space<vmem>> -> memref<72x64xf32, #tpu.memory_space<vmem>>
    %dma_wait3A_341 = arith.constant 128 : i32
    %dma_wait3A_342 = tpu.memref_slice %arg5[%dma_wait3A_333, %dma_wait3A_334, %dma_wait3A_341] : memref<2x4x200xi32, #tpu.memory_space<vmem>> -> memref<1x1x72xi32, #tpu.memory_space<vmem>>
    %dma_wait3A_343 = tpu.memref_squeeze %dma_wait3A_342 : memref<1x1x72xi32, #tpu.memory_space<vmem>> -> memref<72xi32, #tpu.memory_space<vmem>>
    %dma_wait3A_344 = arith.constant 0 : i32
    %dma_wait3A_345 = arith.constant 0 : i32
    %dma_wait3A_346 = tpu.memref_slice %arg2[%dma_wait3A_344, %dma_wait3A_345] : memref<1000000x64xf32, #tpu.memory_space<hbm>> -> memref<1000000x64xf32, #tpu.memory_space<hbm>>
    tpu.wait_indirect_dma semaphore(%arg7 : memref<!tpu.dma_semaphore, #tpu.memory_space<semaphore_mem>>) src(%dma_wait3A_346 : memref<1000000x64xf32, #tpu.memory_space<hbm>>) dst(%dma_wait3A_340 : memref<72x64xf32, #tpu.memory_space<vmem>>)
    %add3A_347 = arith.constant 120 : i32
    %add3A_348 = arith.addi %mul3A_2, %add3A_347 : i32
    %run_scoped3A_349 = arith.constant 0 : i32
    "tpu.region"() ({
      %run_scoped3A_465 = tpu.sem_alloc : memref<!tpu.dma_semaphore, #tpu.memory_space<semaphore_mem>>
      %dma_start3A_466 = arith.constant 0 : i32
      %dma_start3A_467 = arith.constant 0 : i32
      %dma_start3A_468 = arith.constant 0 : i32
      %dma_start3A_469 = tpu.memref_slice %arg6[%run_scoped3A_349, %dma_start3A_466, %dma_start3A_467, %dma_start3A_468] : memref<2x4x200x64xf32, #tpu.memory_space<vmem>> -> memref<1x4x200x64xf32, #tpu.memory_space<vmem>>
      %dma_start3A_470 = tpu.memref_squeeze %dma_start3A_469 : memref<1x4x200x64xf32, #tpu.memory_space<vmem>> -> memref<4x200x64xf32, #tpu.memory_space<vmem>>
      %dma_start3A_471 = arith.constant 0 : i32
      %dma_start3A_472 = arith.constant 0 : i32
      %dma_start3A_473 = tpu.memref_slice %arg4[%add3A_348, %dma_start3A_471, %dma_start3A_472] : memref<4096x200x64xf32, #tpu.memory_space<hbm>> -> memref<4x200x64xf32, #tpu.memory_space<hbm>>
      %dma_start3A_474 = arith.constant 0 : i32
      %dma_start3A_475 = arith.constant 0 : i32
      %dma_start3A_476 = tpu.memref_slice %arg4[%add3A_348, %dma_start3A_474, %dma_start3A_475] : memref<4096x200x64xf32, #tpu.memory_space<hbm>> -> memref<4x200x64xf32, #tpu.memory_space<hbm>>
      %dma_start3A_477 = arith.constant 0 : i32
      %dma_start3A_478 = arith.constant 0 : i32
      %dma_start3A_479 = arith.constant 0 : i32
      %dma_start3A_480 = tpu.memref_slice %arg6[%run_scoped3A_349, %dma_start3A_477, %dma_start3A_478, %dma_start3A_479] : memref<2x4x200x64xf32, #tpu.memory_space<vmem>> -> memref<1x4x200x64xf32, #tpu.memory_space<vmem>>
      %dma_start3A_481 = tpu.memref_squeeze %dma_start3A_480 : memref<1x4x200x64xf32, #tpu.memory_space<vmem>> -> memref<4x200x64xf32, #tpu.memory_space<vmem>>
      tpu.enqueue_dma source(%dma_start3A_481 : memref<4x200x64xf32, #tpu.memory_space<vmem>>) target(%dma_start3A_476 : memref<4x200x64xf32, #tpu.memory_space<hbm>>) target_semaphore(%run_scoped3A_465 : memref<!tpu.dma_semaphore, #tpu.memory_space<semaphore_mem>>)
      %dma_wait3A_482 = arith.constant 0 : i32
      %dma_wait3A_483 = arith.constant 0 : i32
      %dma_wait3A_484 = arith.constant 0 : i32
      %dma_wait3A_485 = tpu.memref_slice %arg6[%run_scoped3A_349, %dma_wait3A_482, %dma_wait3A_483, %dma_wait3A_484] : memref<2x4x200x64xf32, #tpu.memory_space<vmem>> -> memref<1x4x200x64xf32, #tpu.memory_space<vmem>>
      %dma_wait3A_486 = tpu.memref_squeeze %dma_wait3A_485 : memref<1x4x200x64xf32, #tpu.memory_space<vmem>> -> memref<4x200x64xf32, #tpu.memory_space<vmem>>
      %dma_wait3A_487 = arith.constant 0 : i32
      %dma_wait3A_488 = arith.constant 0 : i32
      %dma_wait3A_489 = tpu.memref_slice %arg4[%add3A_348, %dma_wait3A_487, %dma_wait3A_488] : memref<4096x200x64xf32, #tpu.memory_space<hbm>> -> memref<4x200x64xf32, #tpu.memory_space<hbm>>
      %dma_wait3A_490 = arith.constant 0 : i32
      %dma_wait3A_491 = arith.constant 0 : i32
      %dma_wait3A_492 = tpu.memref_slice %arg4[%add3A_348, %dma_wait3A_490, %dma_wait3A_491] : memref<4096x200x64xf32, #tpu.memory_space<hbm>> -> memref<4x200x64xf32, #tpu.memory_space<hbm>>
      %dma_wait3A_493 = arith.constant 0 : i32
      %dma_wait3A_494 = arith.constant 0 : i32
      %dma_wait3A_495 = arith.constant 0 : i32
      %dma_wait3A_496 = tpu.memref_slice %arg6[%run_scoped3A_349, %dma_wait3A_493, %dma_wait3A_494, %dma_wait3A_495] : memref<2x4x200x64xf32, #tpu.memory_space<vmem>> -> memref<1x4x200x64xf32, #tpu.memory_space<vmem>>
      %dma_wait3A_497 = tpu.memref_squeeze %dma_wait3A_496 : memref<1x4x200x64xf32, #tpu.memory_space<vmem>> -> memref<4x200x64xf32, #tpu.memory_space<vmem>>
      tpu.wait_dma2 semaphore(%run_scoped3A_465 : memref<!tpu.dma_semaphore, #tpu.memory_space<semaphore_mem>>) src(%dma_wait3A_497 : memref<4x200x64xf32, #tpu.memory_space<vmem>>) dst(%dma_wait3A_492 : memref<4x200x64xf32, #tpu.memory_space<hbm>>)
      tpu.yield
    }) : () -> ()
    %dma_wait3A_350 = arith.constant 1 : i32
    %dma_wait3A_351 = arith.constant 0 : i32
    %dma_wait3A_352 = arith.constant 1 : i32
    %dma_wait3A_353 = arith.constant 0 : i32
    %dma_wait3A_354 = arith.constant 0 : i32
    %dma_wait3A_355 = arith.constant 0 : i32
    %dma_wait3A_356 = tpu.memref_slice %arg6[%dma_wait3A_352, %dma_wait3A_353, %dma_wait3A_354, %dma_wait3A_355] : memref<2x4x200x64xf32, #tpu.memory_space<vmem>> -> memref<1x1x128x64xf32, #tpu.memory_space<vmem>>
    %dma_wait3A_357 = tpu.memref_squeeze %dma_wait3A_356 : memref<1x1x128x64xf32, #tpu.memory_space<vmem>> -> memref<128x64xf32, #tpu.memory_space<vmem>>
    %dma_wait3A_358 = arith.constant 0 : i32
    %dma_wait3A_359 = tpu.memref_slice %arg5[%dma_wait3A_350, %dma_wait3A_351, %dma_wait3A_358] : memref<2x4x200xi32, #tpu.memory_space<vmem>> -> memref<1x1x128xi32, #tpu.memory_space<vmem>>
    %dma_wait3A_360 = tpu.memref_squeeze %dma_wait3A_359 : memref<1x1x128xi32, #tpu.memory_space<vmem>> -> memref<128xi32, #tpu.memory_space<vmem>>
    %dma_wait3A_361 = arith.constant 0 : i32
    %dma_wait3A_362 = arith.constant 0 : i32
    %dma_wait3A_363 = tpu.memref_slice %arg2[%dma_wait3A_361, %dma_wait3A_362] : memref<1000000x64xf32, #tpu.memory_space<hbm>> -> memref<1000000x64xf32, #tpu.memory_space<hbm>>
    tpu.wait_indirect_dma semaphore(%arg8 : memref<!tpu.dma_semaphore, #tpu.memory_space<semaphore_mem>>) src(%dma_wait3A_363 : memref<1000000x64xf32, #tpu.memory_space<hbm>>) dst(%dma_wait3A_357 : memref<128x64xf32, #tpu.memory_space<vmem>>)
    %dma_wait3A_364 = arith.constant 1 : i32
    %dma_wait3A_365 = arith.constant 0 : i32
    %dma_wait3A_366 = arith.constant 1 : i32
    %dma_wait3A_367 = arith.constant 0 : i32
    %dma_wait3A_368 = arith.constant 128 : i32
    %dma_wait3A_369 = arith.constant 0 : i32
    %dma_wait3A_370 = tpu.memref_slice %arg6[%dma_wait3A_366, %dma_wait3A_367, %dma_wait3A_368, %dma_wait3A_369] : memref<2x4x200x64xf32, #tpu.memory_space<vmem>> -> memref<1x1x72x64xf32, #tpu.memory_space<vmem>>
    %dma_wait3A_371 = tpu.memref_squeeze %dma_wait3A_370 : memref<1x1x72x64xf32, #tpu.memory_space<vmem>> -> memref<72x64xf32, #tpu.memory_space<vmem>>
    %dma_wait3A_372 = arith.constant 128 : i32
    %dma_wait3A_373 = tpu.memref_slice %arg5[%dma_wait3A_364, %dma_wait3A_365, %dma_wait3A_372] : memref<2x4x200xi32, #tpu.memory_space<vmem>> -> memref<1x1x72xi32, #tpu.memory_space<vmem>>
    %dma_wait3A_374 = tpu.memref_squeeze %dma_wait3A_373 : memref<1x1x72xi32, #tpu.memory_space<vmem>> -> memref<72xi32, #tpu.memory_space<vmem>>
    %dma_wait3A_375 = arith.constant 0 : i32
    %dma_wait3A_376 = arith.constant 0 : i32
    %dma_wait3A_377 = tpu.memref_slice %arg2[%dma_wait3A_375, %dma_wait3A_376] : memref<1000000x64xf32, #tpu.memory_space<hbm>> -> memref<1000000x64xf32, #tpu.memory_space<hbm>>
    tpu.wait_indirect_dma semaphore(%arg8 : memref<!tpu.dma_semaphore, #tpu.memory_space<semaphore_mem>>) src(%dma_wait3A_377 : memref<1000000x64xf32, #tpu.memory_space<hbm>>) dst(%dma_wait3A_371 : memref<72x64xf32, #tpu.memory_space<vmem>>)
    %dma_wait3A_378 = arith.constant 1 : i32
    %dma_wait3A_379 = arith.constant 1 : i32
    %dma_wait3A_380 = arith.constant 1 : i32
    %dma_wait3A_381 = arith.constant 1 : i32
    %dma_wait3A_382 = arith.constant 0 : i32
    %dma_wait3A_383 = arith.constant 0 : i32
    %dma_wait3A_384 = tpu.memref_slice %arg6[%dma_wait3A_380, %dma_wait3A_381, %dma_wait3A_382, %dma_wait3A_383] : memref<2x4x200x64xf32, #tpu.memory_space<vmem>> -> memref<1x1x128x64xf32, #tpu.memory_space<vmem>>
    %dma_wait3A_385 = tpu.memref_squeeze %dma_wait3A_384 : memref<1x1x128x64xf32, #tpu.memory_space<vmem>> -> memref<128x64xf32, #tpu.memory_space<vmem>>
    %dma_wait3A_386 = arith.constant 0 : i32
    %dma_wait3A_387 = tpu.memref_slice %arg5[%dma_wait3A_378, %dma_wait3A_379, %dma_wait3A_386] : memref<2x4x200xi32, #tpu.memory_space<vmem>> -> memref<1x1x128xi32, #tpu.memory_space<vmem>>
    %dma_wait3A_388 = tpu.memref_squeeze %dma_wait3A_387 : memref<1x1x128xi32, #tpu.memory_space<vmem>> -> memref<128xi32, #tpu.memory_space<vmem>>
    %dma_wait3A_389 = arith.constant 0 : i32
    %dma_wait3A_390 = arith.constant 0 : i32
    %dma_wait3A_391 = tpu.memref_slice %arg2[%dma_wait3A_389, %dma_wait3A_390] : memref<1000000x64xf32, #tpu.memory_space<hbm>> -> memref<1000000x64xf32, #tpu.memory_space<hbm>>
    tpu.wait_indirect_dma semaphore(%arg8 : memref<!tpu.dma_semaphore, #tpu.memory_space<semaphore_mem>>) src(%dma_wait3A_391 : memref<1000000x64xf32, #tpu.memory_space<hbm>>) dst(%dma_wait3A_385 : memref<128x64xf32, #tpu.memory_space<vmem>>)
    %dma_wait3A_392 = arith.constant 1 : i32
    %dma_wait3A_393 = arith.constant 1 : i32
    %dma_wait3A_394 = arith.constant 1 : i32
    %dma_wait3A_395 = arith.constant 1 : i32
    %dma_wait3A_396 = arith.constant 128 : i32
    %dma_wait3A_397 = arith.constant 0 : i32
    %dma_wait3A_398 = tpu.memref_slice %arg6[%dma_wait3A_394, %dma_wait3A_395, %dma_wait3A_396, %dma_wait3A_397] : memref<2x4x200x64xf32, #tpu.memory_space<vmem>> -> memref<1x1x72x64xf32, #tpu.memory_space<vmem>>
    %dma_wait3A_399 = tpu.memref_squeeze %dma_wait3A_398 : memref<1x1x72x64xf32, #tpu.memory_space<vmem>> -> memref<72x64xf32, #tpu.memory_space<vmem>>
    %dma_wait3A_400 = arith.constant 128 : i32
    %dma_wait3A_401 = tpu.memref_slice %arg5[%dma_wait3A_392, %dma_wait3A_393, %dma_wait3A_400] : memref<2x4x200xi32, #tpu.memory_space<vmem>> -> memref<1x1x72xi32, #tpu.memory_space<vmem>>
    %dma_wait3A_402 = tpu.memref_squeeze %dma_wait3A_401 : memref<1x1x72xi32, #tpu.memory_space<vmem>> -> memref<72xi32, #tpu.memory_space<vmem>>
    %dma_wait3A_403 = arith.constant 0 : i32
    %dma_wait3A_404 = arith.constant 0 : i32
    %dma_wait3A_405 = tpu.memref_slice %arg2[%dma_wait3A_403, %dma_wait3A_404] : memref<1000000x64xf32, #tpu.memory_space<hbm>> -> memref<1000000x64xf32, #tpu.memory_space<hbm>>
    tpu.wait_indirect_dma semaphore(%arg8 : memref<!tpu.dma_semaphore, #tpu.memory_space<semaphore_mem>>) src(%dma_wait3A_405 : memref<1000000x64xf32, #tpu.memory_space<hbm>>) dst(%dma_wait3A_399 : memref<72x64xf32, #tpu.memory_space<vmem>>)
    %dma_wait3A_406 = arith.constant 1 : i32
    %dma_wait3A_407 = arith.constant 2 : i32
    %dma_wait3A_408 = arith.constant 1 : i32
    %dma_wait3A_409 = arith.constant 2 : i32
    %dma_wait3A_410 = arith.constant 0 : i32
    %dma_wait3A_411 = arith.constant 0 : i32
    %dma_wait3A_412 = tpu.memref_slice %arg6[%dma_wait3A_408, %dma_wait3A_409, %dma_wait3A_410, %dma_wait3A_411] : memref<2x4x200x64xf32, #tpu.memory_space<vmem>> -> memref<1x1x128x64xf32, #tpu.memory_space<vmem>>
    %dma_wait3A_413 = tpu.memref_squeeze %dma_wait3A_412 : memref<1x1x128x64xf32, #tpu.memory_space<vmem>> -> memref<128x64xf32, #tpu.memory_space<vmem>>
    %dma_wait3A_414 = arith.constant 0 : i32
    %dma_wait3A_415 = tpu.memref_slice %arg5[%dma_wait3A_406, %dma_wait3A_407, %dma_wait3A_414] : memref<2x4x200xi32, #tpu.memory_space<vmem>> -> memref<1x1x128xi32, #tpu.memory_space<vmem>>
    %dma_wait3A_416 = tpu.memref_squeeze %dma_wait3A_415 : memref<1x1x128xi32, #tpu.memory_space<vmem>> -> memref<128xi32, #tpu.memory_space<vmem>>
    %dma_wait3A_417 = arith.constant 0 : i32
    %dma_wait3A_418 = arith.constant 0 : i32
    %dma_wait3A_419 = tpu.memref_slice %arg2[%dma_wait3A_417, %dma_wait3A_418] : memref<1000000x64xf32, #tpu.memory_space<hbm>> -> memref<1000000x64xf32, #tpu.memory_space<hbm>>
    tpu.wait_indirect_dma semaphore(%arg8 : memref<!tpu.dma_semaphore, #tpu.memory_space<semaphore_mem>>) src(%dma_wait3A_419 : memref<1000000x64xf32, #tpu.memory_space<hbm>>) dst(%dma_wait3A_413 : memref<128x64xf32, #tpu.memory_space<vmem>>)
    %dma_wait3A_420 = arith.constant 1 : i32
    %dma_wait3A_421 = arith.constant 2 : i32
    %dma_wait3A_422 = arith.constant 1 : i32
    %dma_wait3A_423 = arith.constant 2 : i32
    %dma_wait3A_424 = arith.constant 128 : i32
    %dma_wait3A_425 = arith.constant 0 : i32
    %dma_wait3A_426 = tpu.memref_slice %arg6[%dma_wait3A_422, %dma_wait3A_423, %dma_wait3A_424, %dma_wait3A_425] : memref<2x4x200x64xf32, #tpu.memory_space<vmem>> -> memref<1x1x72x64xf32, #tpu.memory_space<vmem>>
    %dma_wait3A_427 = tpu.memref_squeeze %dma_wait3A_426 : memref<1x1x72x64xf32, #tpu.memory_space<vmem>> -> memref<72x64xf32, #tpu.memory_space<vmem>>
    %dma_wait3A_428 = arith.constant 128 : i32
    %dma_wait3A_429 = tpu.memref_slice %arg5[%dma_wait3A_420, %dma_wait3A_421, %dma_wait3A_428] : memref<2x4x200xi32, #tpu.memory_space<vmem>> -> memref<1x1x72xi32, #tpu.memory_space<vmem>>
    %dma_wait3A_430 = tpu.memref_squeeze %dma_wait3A_429 : memref<1x1x72xi32, #tpu.memory_space<vmem>> -> memref<72xi32, #tpu.memory_space<vmem>>
    %dma_wait3A_431 = arith.constant 0 : i32
    %dma_wait3A_432 = arith.constant 0 : i32
    %dma_wait3A_433 = tpu.memref_slice %arg2[%dma_wait3A_431, %dma_wait3A_432] : memref<1000000x64xf32, #tpu.memory_space<hbm>> -> memref<1000000x64xf32, #tpu.memory_space<hbm>>
    tpu.wait_indirect_dma semaphore(%arg8 : memref<!tpu.dma_semaphore, #tpu.memory_space<semaphore_mem>>) src(%dma_wait3A_433 : memref<1000000x64xf32, #tpu.memory_space<hbm>>) dst(%dma_wait3A_427 : memref<72x64xf32, #tpu.memory_space<vmem>>)
    %dma_wait3A_434 = arith.constant 1 : i32
    %dma_wait3A_435 = arith.constant 3 : i32
    %dma_wait3A_436 = arith.constant 1 : i32
    %dma_wait3A_437 = arith.constant 3 : i32
    %dma_wait3A_438 = arith.constant 0 : i32
    %dma_wait3A_439 = arith.constant 0 : i32
    %dma_wait3A_440 = tpu.memref_slice %arg6[%dma_wait3A_436, %dma_wait3A_437, %dma_wait3A_438, %dma_wait3A_439] : memref<2x4x200x64xf32, #tpu.memory_space<vmem>> -> memref<1x1x128x64xf32, #tpu.memory_space<vmem>>
    %dma_wait3A_441 = tpu.memref_squeeze %dma_wait3A_440 : memref<1x1x128x64xf32, #tpu.memory_space<vmem>> -> memref<128x64xf32, #tpu.memory_space<vmem>>
    %dma_wait3A_442 = arith.constant 0 : i32
    %dma_wait3A_443 = tpu.memref_slice %arg5[%dma_wait3A_434, %dma_wait3A_435, %dma_wait3A_442] : memref<2x4x200xi32, #tpu.memory_space<vmem>> -> memref<1x1x128xi32, #tpu.memory_space<vmem>>
    %dma_wait3A_444 = tpu.memref_squeeze %dma_wait3A_443 : memref<1x1x128xi32, #tpu.memory_space<vmem>> -> memref<128xi32, #tpu.memory_space<vmem>>
    %dma_wait3A_445 = arith.constant 0 : i32
    %dma_wait3A_446 = arith.constant 0 : i32
    %dma_wait3A_447 = tpu.memref_slice %arg2[%dma_wait3A_445, %dma_wait3A_446] : memref<1000000x64xf32, #tpu.memory_space<hbm>> -> memref<1000000x64xf32, #tpu.memory_space<hbm>>
    tpu.wait_indirect_dma semaphore(%arg8 : memref<!tpu.dma_semaphore, #tpu.memory_space<semaphore_mem>>) src(%dma_wait3A_447 : memref<1000000x64xf32, #tpu.memory_space<hbm>>) dst(%dma_wait3A_441 : memref<128x64xf32, #tpu.memory_space<vmem>>)
    %dma_wait3A_448 = arith.constant 1 : i32
    %dma_wait3A_449 = arith.constant 3 : i32
    %dma_wait3A_450 = arith.constant 1 : i32
    %dma_wait3A_451 = arith.constant 3 : i32
    %dma_wait3A_452 = arith.constant 128 : i32
    %dma_wait3A_453 = arith.constant 0 : i32
    %dma_wait3A_454 = tpu.memref_slice %arg6[%dma_wait3A_450, %dma_wait3A_451, %dma_wait3A_452, %dma_wait3A_453] : memref<2x4x200x64xf32, #tpu.memory_space<vmem>> -> memref<1x1x72x64xf32, #tpu.memory_space<vmem>>
    %dma_wait3A_455 = tpu.memref_squeeze %dma_wait3A_454 : memref<1x1x72x64xf32, #tpu.memory_space<vmem>> -> memref<72x64xf32, #tpu.memory_space<vmem>>
    %dma_wait3A_456 = arith.constant 128 : i32
    %dma_wait3A_457 = tpu.memref_slice %arg5[%dma_wait3A_448, %dma_wait3A_449, %dma_wait3A_456] : memref<2x4x200xi32, #tpu.memory_space<vmem>> -> memref<1x1x72xi32, #tpu.memory_space<vmem>>
    %dma_wait3A_458 = tpu.memref_squeeze %dma_wait3A_457 : memref<1x1x72xi32, #tpu.memory_space<vmem>> -> memref<72xi32, #tpu.memory_space<vmem>>
    %dma_wait3A_459 = arith.constant 0 : i32
    %dma_wait3A_460 = arith.constant 0 : i32
    %dma_wait3A_461 = tpu.memref_slice %arg2[%dma_wait3A_459, %dma_wait3A_460] : memref<1000000x64xf32, #tpu.memory_space<hbm>> -> memref<1000000x64xf32, #tpu.memory_space<hbm>>
    tpu.wait_indirect_dma semaphore(%arg8 : memref<!tpu.dma_semaphore, #tpu.memory_space<semaphore_mem>>) src(%dma_wait3A_461 : memref<1000000x64xf32, #tpu.memory_space<hbm>>) dst(%dma_wait3A_455 : memref<72x64xf32, #tpu.memory_space<vmem>>)
    %add3A_462 = arith.constant 124 : i32
    %add3A_463 = arith.addi %mul3A_2, %add3A_462 : i32
    %run_scoped3A_464 = arith.constant 1 : i32
    "tpu.region"() ({
      %run_scoped3A_465 = tpu.sem_alloc : memref<!tpu.dma_semaphore, #tpu.memory_space<semaphore_mem>>
      %dma_start3A_466 = arith.constant 0 : i32
      %dma_start3A_467 = arith.constant 0 : i32
      %dma_start3A_468 = arith.constant 0 : i32
      %dma_start3A_469 = tpu.memref_slice %arg6[%run_scoped3A_464, %dma_start3A_466, %dma_start3A_467, %dma_start3A_468] : memref<2x4x200x64xf32, #tpu.memory_space<vmem>> -> memref<1x4x200x64xf32, #tpu.memory_space<vmem>>
      %dma_start3A_470 = tpu.memref_squeeze %dma_start3A_469 : memref<1x4x200x64xf32, #tpu.memory_space<vmem>> -> memref<4x200x64xf32, #tpu.memory_space<vmem>>
      %dma_start3A_471 = arith.constant 0 : i32
      %dma_start3A_472 = arith.constant 0 : i32
      %dma_start3A_473 = tpu.memref_slice %arg4[%add3A_463, %dma_start3A_471, %dma_start3A_472] : memref<4096x200x64xf32, #tpu.memory_space<hbm>> -> memref<4x200x64xf32, #tpu.memory_space<hbm>>
      %dma_start3A_474 = arith.constant 0 : i32
      %dma_start3A_475 = arith.constant 0 : i32
      %dma_start3A_476 = tpu.memref_slice %arg4[%add3A_463, %dma_start3A_474, %dma_start3A_475] : memref<4096x200x64xf32, #tpu.memory_space<hbm>> -> memref<4x200x64xf32, #tpu.memory_space<hbm>>
      %dma_start3A_477 = arith.constant 0 : i32
      %dma_start3A_478 = arith.constant 0 : i32
      %dma_start3A_479 = arith.constant 0 : i32
      %dma_start3A_480 = tpu.memref_slice %arg6[%run_scoped3A_464, %dma_start3A_477, %dma_start3A_478, %dma_start3A_479] : memref<2x4x200x64xf32, #tpu.memory_space<vmem>> -> memref<1x4x200x64xf32, #tpu.memory_space<vmem>>
      %dma_start3A_481 = tpu.memref_squeeze %dma_start3A_480 : memref<1x4x200x64xf32, #tpu.memory_space<vmem>> -> memref<4x200x64xf32, #tpu.memory_space<vmem>>
      tpu.enqueue_dma source(%dma_start3A_481 : memref<4x200x64xf32, #tpu.memory_space<vmem>>) target(%dma_start3A_476 : memref<4x200x64xf32, #tpu.memory_space<hbm>>) target_semaphore(%run_scoped3A_465 : memref<!tpu.dma_semaphore, #tpu.memory_space<semaphore_mem>>)
      %dma_wait3A_482 = arith.constant 0 : i32
      %dma_wait3A_483 = arith.constant 0 : i32
      %dma_wait3A_484 = arith.constant 0 : i32
      %dma_wait3A_485 = tpu.memref_slice %arg6[%run_scoped3A_464, %dma_wait3A_482, %dma_wait3A_483, %dma_wait3A_484] : memref<2x4x200x64xf32, #tpu.memory_space<vmem>> -> memref<1x4x200x64xf32, #tpu.memory_space<vmem>>
      %dma_wait3A_486 = tpu.memref_squeeze %dma_wait3A_485 : memref<1x4x200x64xf32, #tpu.memory_space<vmem>> -> memref<4x200x64xf32, #tpu.memory_space<vmem>>
      %dma_wait3A_487 = arith.constant 0 : i32
      %dma_wait3A_488 = arith.constant 0 : i32
      %dma_wait3A_489 = tpu.memref_slice %arg4[%add3A_463, %dma_wait3A_487, %dma_wait3A_488] : memref<4096x200x64xf32, #tpu.memory_space<hbm>> -> memref<4x200x64xf32, #tpu.memory_space<hbm>>
      %dma_wait3A_490 = arith.constant 0 : i32
      %dma_wait3A_491 = arith.constant 0 : i32
      %dma_wait3A_492 = tpu.memref_slice %arg4[%add3A_463, %dma_wait3A_490, %dma_wait3A_491] : memref<4096x200x64xf32, #tpu.memory_space<hbm>> -> memref<4x200x64xf32, #tpu.memory_space<hbm>>
      %dma_wait3A_493 = arith.constant 0 : i32
      %dma_wait3A_494 = arith.constant 0 : i32
      %dma_wait3A_495 = arith.constant 0 : i32
      %dma_wait3A_496 = tpu.memref_slice %arg6[%run_scoped3A_464, %dma_wait3A_493, %dma_wait3A_494, %dma_wait3A_495] : memref<2x4x200x64xf32, #tpu.memory_space<vmem>> -> memref<1x4x200x64xf32, #tpu.memory_space<vmem>>
      %dma_wait3A_497 = tpu.memref_squeeze %dma_wait3A_496 : memref<1x4x200x64xf32, #tpu.memory_space<vmem>> -> memref<4x200x64xf32, #tpu.memory_space<vmem>>
      tpu.wait_dma2 semaphore(%run_scoped3A_465 : memref<!tpu.dma_semaphore, #tpu.memory_space<semaphore_mem>>) src(%dma_wait3A_497 : memref<4x200x64xf32, #tpu.memory_space<vmem>>) dst(%dma_wait3A_492 : memref<4x200x64xf32, #tpu.memory_space<hbm>>)
      tpu.yield
    }) : () -> ()
    return
  }
}

module attributes {stable_mosaic.version = 14 : i64} {
  func.func @body(%arg0: i32, %arg1: memref<64x8192xf32, #tpu.memory_space<vmem>>, %arg2: memref<4096x128xf32, #tpu.memory_space<vmem>>) attributes {dimension_semantics = [#tpu.dimension_semantics<arbitrary>], iteration_bounds = array<i64: 123>, scalar_prefetch = 0 : i64, scratch_operands = 0 : i64, tpu.core_type = #tpu.core_type<tc>, window_params = [{transform_indices = @transform_0, window_bounds = array<i64: 64, 8192>}, {transform_indices = @transform_1, window_bounds = array<i64: 4096, 128>}]} {
    %get3A = arith.constant 0 : index
    %get3A_0 = arith.constant 0 : index
    %get3A_1 = vector.load %arg1[%get3A, %get3A_0] : memref<64x8192xf32, #tpu.memory_space<vmem>>, vector<64x8192xf32>
    %transpose3A = tpu.transpose %get3A_1, [1, 0] : vector<64x8192xf32> -> vector<8192x64xf32>
    %reshape3A = vector.shape_cast %transpose3A : vector<8192x64xf32> to vector<4096x2x64xf32>
    %mul3A = arith.constant 8.000000e+00 : f32
    %mul3A_2 = vector.broadcast %mul3A : f32 to vector<4096x2x64xf32>
    %mul3A_3 = arith.mulf %reshape3A, %mul3A_2 : vector<4096x2x64xf32>
    %slice3A = vector.extract_strided_slice %mul3A_3 {offsets = [0, 0, 0], sizes = [4096, 1, 64], strides = [1, 1, 1]} : vector<4096x2x64xf32> to vector<4096x1x64xf32>
    %squeeze3A = vector.shape_cast %slice3A : vector<4096x1x64xf32> to vector<4096x64xf32>
    %swap3A = arith.constant 0 : index
    %swap3A_4 = arith.constant 0 : index
    %swap3A_5 = vector.load %arg2[%swap3A, %swap3A_4] : memref<4096x128xf32, #tpu.memory_space<vmem>>, vector<4096x64xf32>
    tpu.vector_store %arg2[%swap3A, %swap3A_4], %squeeze3A {strides = array<i32>} : memref<4096x128xf32, #tpu.memory_space<vmem>>, vector<4096x64xf32>,
    %slice3A_6 = vector.extract_strided_slice %mul3A_3 {offsets = [0, 1, 0], sizes = [4096, 1, 64], strides = [1, 1, 1]} : vector<4096x2x64xf32> to vector<4096x1x64xf32>
    %squeeze3A_7 = vector.shape_cast %slice3A_6 : vector<4096x1x64xf32> to vector<4096x64xf32>
    %swap3A_8 = arith.constant 0 : index
    %swap3A_9 = arith.constant 64 : index
    %swap3A_10 = vector.load %arg2[%swap3A_8, %swap3A_9] : memref<4096x128xf32, #tpu.memory_space<vmem>>, vector<4096x64xf32>
    tpu.vector_store %arg2[%swap3A_8, %swap3A_9], %squeeze3A_7 {strides = array<i32>} : memref<4096x128xf32, #tpu.memory_space<vmem>>, vector<4096x64xf32>,
    return
  }
  func.func @transform_0(%arg0: i32) -> (i32, i32) {
    %c0_i32 = arith.constant 0 : i32
    %c0_i32_0 = arith.constant 0 : i32
    return %c0_i32, %arg0 : i32, i32
  }
  func.func @transform_1(%arg0: i32) -> (i32, i32) {
    %c0_i32 = arith.constant 0 : i32
    %c0_i32_0 = arith.constant 0 : i32
    return %arg0, %c0_i32 : i32, i32
  }
}

</mosaic_0001>

<sc_bundles>
// kernel: kernel.4.cloned.1.call-start
scs
__scs_entry_jumppad:
0x0: {  	(pc) =	sbr.rel $0x88, $3  }
0x1: {  	(tag) =	ssettag $0x0;
	lr =	simm.s32 $0x1  }
0x2: {  	[smem:$0x3F9F] =	sst lr;
	_ =	strace $0xD0000000  }
0x3: {  	_ = 	snop  }
0x4: {  	_ = 	snop  }
0x5: {  	_ = 	snop  }
0x6: {  	_ = 	snop  }
0x7: {  	_ = 	snop  }
__scs_overlays_trampoline_lowered:
0x8: {  	[smem:$0x3FAE] =	sst s0  }
0x9: {  	[smem:$0x3FAF] =	sst s1  }
0xa: {  	[smem:$0x3FB0] =	sst s2  }
0xb: {  	[smem:$0x3FB1] =	sst s3  }
0xc: {  	[smem:$0x3FB2] =	sst s4  }
0xd: {  	[smem:$0x3FB3] =	sst s5  }
0xe: {  	[smem:$0x3FB4] =	sst s6  }
0xf: {  	[smem:$0x3FB5] =	sst s7  }
0x10: {  	[smem:$0x3FB6] =	sst s8  }
0x11: {  	[smem:$0x3FB7] =	sst s9;
	s0 =	simm.s32 @!p0 $0x0  }
0x12: {  	s1 =	sld [smem:$0x3F9D];
	s0 =	simm.s32 @p0 $0x1  }
0x13: {  	[smem:$0x3FB8] =	sst s0;
	s0 =	simm.s32 @!p1 $0x0  }
0x14: {  	s2 =	sld [smem:$0x3F9C];
	s0 =	simm.s32 @p1 $0x1  }
0x15: {  	[smem:$0x3FB9] =	sst s0;
	s0 =	simm.s32 @!p2 $0x0  }
0x16: {  	s3 =	sld [smem:$0x3FDB];
	s0 =	simm.s32 @p2 $0x1  }
0x17: {  	s4 =	simm.s32 $0x1BF5;
	[smem:$0x3FBB] =	sst s0  }
0x18: {  	s0 =	sld [smem:$0x3F9E];
	_ =	swait.ge [sflag:s4], $0x0  }
0x19: {  	s7 =	sld [smem:$0x3F9F]  }
0x1a: {  	s8 =	sadd.s32 $0xFFFFE003, lr  }
0x1b: {  	s9 =	sadd.s32 $0xFFFFFEF7, lr;
	s5 =	simm.s32 $0xFFFFFFFF;
	p2 =	slt.u32 s8, $0xFFFFF086  }
0x1c: {  	p1 =	slt.u32 s9, $0xF7A;
	s5 =	simm.s32 @!p2 $0x0  }
0x1d: {  	s5 =	simm.s32 @p1 $0x1;
	p0 =	seq.s32 s7, s2  }
0x1e: {  	s7 =	smul.u32 @!p0 $0xF7A, s2;
	p2 =	seq.s32 @!p0 s5, $0x0  }
0x1f: {  	s9 =	smul.u32 $0xF7A, s1;
	s8 =	simm.s32 @!p0 $0x1BF5;
	p2 =	por !p2, p0  }
0x20: {  	[sflag:s8] =	ssyncset.s32 @!p0 $0xFFFFF086;
	s6 =	sadd.s32 @!p0 s3, s7;
	s7 =	simm.s32 @!p0 $0x108  }
0x21: {  	s3 =	sadd.s32 s3, s9;
	s6 =	sadd.s32 @!p0 $0x88, s6;
	s7 =	simm.s32 @p2 $0x1082  }
0x22: {  	[simem:s7], [sflag:s8] =	dma.local @!p0 [hbm:s6], $0xF7A  }
0x23: {  	s9 =	sor.u32 $0xD0000000, s2;
	s6 =	simm.s32 $0x108;
	_ =	swait.ge @!p0 [sflag:s8], $0x0  }
0x24: {  	s3 =	sadd.s32 $0x88, s3;
	s6 =	simm.s32 @!p1 $0x1082;
	[sflag:s4] =	ssyncset.s32 $0xFFFFF086  }
0x25: {  	[simem:s6], [sflag:s4] =	dma.local [hbm:s3], $0xF7A  }
0x26: {  	[smem:$0x3F9F] =	sst s1;
	(tag) =	ssettag s2;
	_ =	strace s9  }
0x27: {  	s1 =	sld [smem:$0x3FAF]  }
0x28: {  	s2 =	sld [smem:$0x3FB0]  }
0x29: {  	s4 =	sld [smem:$0x3FB2]  }
0x2a: {  	p0 =	seq.s32 s5, $0x0;
	s5 =	sld [smem:$0x3FB3]  }
0x2b: {  	s6 =	sld [smem:$0x3FB4]  }
0x2c: {  	s7 =	sld [smem:$0x3FB5]  }
0x2d: {  	s3 =	simm.s32 $0x108;
	s8 =	sld [smem:$0x3FB6]  }
0x2e: {  	s3 =	simm.s32 @!p0 $0x1082;
	s9 =	sld [smem:$0x3FB7]  }
0x2f: {  	lr =	sadd.s32 s0, s3;
	s0 =	sld [smem:$0x3FAE]  }
0x30: {  	s3 =	sld [smem:$0x3FB1]  }
0x31: {  	[smem:$0x3FBA] =	sst s10  }
0x32: {  	s10 =	sld [smem:$0x3FB8];
	_ =	sdelay $0x3  }
0x33: {  	p0 =	seq.s32 s10, $0x1;
	s10 =	sld [smem:$0x3FBA];
	_ =	sdelay $0x3  }
0x34: {  	[smem:$0x3FBA] =	sst s10  }
0x35: {  	s10 =	sld [smem:$0x3FB9];
	_ =	sdelay $0x3  }
0x36: {  	p1 =	seq.s32 s10, $0x1;
	s10 =	sld [smem:$0x3FBA];
	_ =	sdelay $0x3  }
0x37: {  	[smem:$0x3FBA] =	sst s10  }
0x38: {  	s10 =	sld [smem:$0x3FBB]  }
0x39: {  	_ = 	snop;
	(pc) =	sbr.ind lr, $3  }
0x3a: {  	_ = 	snop  }
0x3b: {  	_ = 	snop  }
0x3c: {  	p2 =	seq.s32 s10, $0x1;
	s10 =	sld [smem:$0x3FBA]  }
0x3d: {  	_ =	shalt  }
0x3e: {  	_ =	shalt  }
0x3f: {  	_ =	shalt  }
0x40: {  	_ =	shalt  }
0x41: {  	_ =	shalt  }
0x42: {  	_ =	shalt  }
0x43: {  	_ =	shalt  }
0x44: {  	_ =	shalt  }
0x45: {  	_ =	shalt  }
0x46: {  	_ =	shalt  }
0x47: {  	_ =	shalt  }
0x48: {  	_ =	shalt  }
0x49: {  	_ =	shalt  }
0x4a: {  	_ =	shalt  }
0x4b: {  	_ =	shalt  }
0x4c: {  	_ =	shalt  }
0x4d: {  	_ =	shalt  }
0x4e: {  	_ =	shalt  }
0x4f: {  	_ =	shalt  }
0x50: {  	_ =	shalt  }
0x51: {  	_ =	shalt  }
0x52: {  	_ =	shalt  }
0x53: {  	_ =	shalt  }
0x54: {  	_ =	shalt  }
0x55: {  	_ =	shalt  }
0x56: {  	_ =	shalt  }
0x57: {  	_ =	shalt  }
0x58: {  	_ =	shalt  }
0x59: {  	_ =	shalt  }
0x5a: {  	_ =	shalt  }
0x5b: {  	_ =	shalt  }
0x5c: {  	_ =	shalt  }
0x5d: {  	_ =	shalt  }
0x5e: {  	_ =	shalt  }
0x5f: {  	_ =	shalt  }
0x60: {  	_ =	shalt  }
0x61: {  	_ =	shalt  }
0x62: {  	_ =	shalt  }
0x63: {  	_ =	shalt  }
0x64: {  	_ =	shalt  }
0x65: {  	_ =	shalt  }
0x66: {  	_ =	shalt  }
0x67: {  	_ =	shalt  }
0x68: {  	_ =	shalt  }
0x69: {  	_ =	shalt  }
0x6a: {  	_ =	shalt  }
0x6b: {  	_ =	shalt  }
0x6c: {  	_ =	shalt  }
0x6d: {  	_ =	shalt  }
0x6e: {  	_ =	shalt  }
0x6f: {  	_ =	shalt  }
0x70: {  	_ =	shalt  }
0x71: {  	_ =	shalt  }
0x72: {  	_ =	shalt  }
0x73: {  	_ =	shalt  }
0x74: {  	_ =	shalt  }
0x75: {  	_ =	shalt  }
0x76: {  	_ =	shalt  }
0x77: {  	_ =	shalt  }
0x78: {  	_ =	shalt  }
0x79: {  	_ =	shalt  }
0x7a: {  	_ =	shalt  }
0x7b: {  	_ =	shalt  }
0x7c: {  	_ =	shalt  }
0x7d: {  	_ =	shalt  }
0x7e: {  	_ =	shalt  }
0x7f: {  	_ =	shalt  }
0x80: {  	_ =	shalt  }
0x81: {  	_ =	shalt  }
0x82: {  	_ =	shalt  }
0x83: {  	_ =	shalt  }
0x84: {  	_ =	shalt  }
0x85: {  	_ =	shalt  }
0x86: {  	_ =	shalt  }
0x87: {  	_ =	shalt  }
.Lfunc_end0:
.L_simem_size_0:
called_computation.1_lowered:
.L_overlay_start_0:
0x88: {  	s2 =	sld [smem:$0x3FD9]  }
0x89: {  	s3 =	sld [smem:$0x3FFE];
	_ =	sdelay $0x1  }
0x8a: {  	s1 =	srdreg.scid  }
0x8b: {  	s0 =	sand.u32 $0x1, s1  }
0x8c: {  	s17 =	sshll.u32 s0, $0xA;
	s2 =	sadd.s32 s3, s2  }
0x8d: {  	s2 =	sadd.s32 s2, s17  }
0x8e: {  	[smem:$0x3FC6] =	sst s2  }
0x8f: {  	_ = 	snop  }
0x90: {  	s2 =	sld [smem:$0x3FD0];
	(tm) =	ssettm $0x1  }
0x91: {  	s18 =	sld [smem:$0x3FFB];
	_ =	sdelay $0x3  }
0x92: {  	_ =	strace s18  }
0x93: {  	s3 =	sld [smem:$0x3FFC];
	_ =	sdelay $0x3  }
0x94: {  	_ =	strace s3  }
0x95: {  	s3 =	sld [smem:$0x3FFD];
	_ =	sdelay $0x3  }
0x96: {  	_ =	strace s3  }
0x97: {  	_ =	strace $0x8FFFFFFF  }
0x98: {  	s19 =	sld [smem:$0x3FDB];
	_ =	sdelay $0x1  }
0x99: {  	s4 =	simm.s32 $_scs_section_size  }
0x9a: {  	s5 =	simm.s32 $_size__tile_overlayer_lowered;
	s6 =	simm.s32 $_tile_overlayer_lowered  }
0x9b: {  	s22 =	simm.s32 $0x1BFF;
	s21 =	sshll.u32 s6, $0x1;
	s3 =	sadd.s32 s4, s19  }
0x9c: {  	s7 =	simm.s32 $0x0;
	s20 =	sshll.u32 s5, $0x1;
	s5 =	sadd.s32 s21, s3  }
0x9d: {  	[timem:s7], [sflag:s22] =	dma.local [hbm:s5], s20  }
0x9e: {  	_ =	swait.ge [sflag:s22], s20  }
0x9f: {  	s4 =	ssub.s32 $0x0, s20;
	[sflag:s22] =	ssyncset.done $0x0  }
0xa0: {  	[sflag:s22] =	ssyncadd.s32 s4;
	_ =	sdelay $0x1  }
0xa1: {  	s23 =	simm.s32 $0x1B8B  }
0xa2: {  	_ =	swait.ge [sflag:s23], $0x1  }
0xa3: {  	[sflag:s23] =	ssyncset.done $0x0  }
0xa4: {  	s25 =	simm.s32 $0x1B8E;
	s24 =	sld [smem:$0x3FFE];
	[sflag:s23] =	ssyncadd.s32 $0xFFFFFFFF  }
0xa5: {  	s26 =	simm.s32 $execute0_lowered;
	[smem:$0x3FD2] =	sst s25  }
0xa6: {  	s5 =	sshll.u32 s26, $0x1;
	_ =	strace $0x80000046;
	[dreg:$0x1] =	wrdreg $0xFFFFFFFF  }
0xa7: {  	s28 =	simm.s32 $_size_execute0_lowered;
	s3 =	sadd.s32 s3, s5;
	[dreg:$0x0] =	wrdreg $0x0  }
0xa8: {  	s5 =	sshll.u32 s28, $0x1;
	[dreg:$0x2] =	wrdreg s3  }
0xa9: {  	[dreg:$0x3] =	wrdreg s5  }
0xaa: {  	[dreg:$0x4] =	wrdreg $0xC0  }
0xab: {  	_ =	task [dreg:s7], $0x5FFFF  }
0xac: {  	[dreg:$0x1] =	wrdreg $0xFFFFFFFF  }
0xad: {  	[dreg:$0x0] =	wrdreg $0x60  }
0xae: {  	[dreg:$0x2] =	wrdreg s24  }
0xaf: {  	[dreg:$0x3] =	wrdreg s2  }
0xb0: {  	[dreg:$0x4] =	wrdreg $0x9  }
0xb1: {  	_ =	task.clear_ibuf [dreg:s7], $0x5FFFF;
	_ =	strace $0x90000046  }
0xb2: {  	s29 =	simm.s32 $0x9;
	_ =	strace $0x80000048  }
0xb3: {  	_ =	swait.ge [sflag:s29], $0x1  }
0xb4: {  	[sflag:s29] =	ssyncadd.s32 $0xFFFFFFFF  }
0xb5: {  	_ =	strace $0x90000048  }
0xb6: {  	_ =	sfence  }
0xb7: {  	s30 =	sld [smem:$0x0];
	_ =	sdelay $0x2  }
0xb8: {  	s31 =	sshll.u32 s1, $0xD;
	s1 =	sshrl.u32 s1, $0x2  }
0xb9: {  	s3 =	sand.u32 $0x4000, s31;
	s1 =	sadd.s32 s1, s30  }
0xba: {  	s0 =	sor.u32 s3, s0;
	s1 =	sshll.u32 s1, $0x11  }
0xbb: {  	s0 =	sor.u32 s1, s0  }
0xbc: {  	s0 =	sadd.s32 $0x8F2B, s0  }
0xbd: {  	[sflag:s0] =	ssyncadd.remote.s32 $0x1  }
0xbe: {  	_ =	sfence.sel $0xFFFF  }
0xbf: {  	[dreg:$0x0] =	wrdreg $0xFFFFFFFF;
	(pc) =	sbr.abs _section_cstart, $3  }
0xc0: {  	[dreg:$0x1] =	wrdreg $0xFFFFFFFF  }
0xc1: {  	_ =	task.clear_ibuf [dreg:s7], $0x2FFFF;
	_ =	strace $0x9FFFFFFF  }
0xc2: {  	(tm) =	ssettm $0x7FFFFFFF  }
0xc3: {  	_ =	shalt  }
tec
execute0_lowered:
.L_overlay_start_1:
0x0: {  	(tag) =	ssettag $0x1  }
0x1: {  	s0 =	srdreg.scid  }
0x2: {  	s12 =	stileid.u32;
	s4 =	rddreg [dreg:$0x0]  }
0x3: {  	s5 =	rddreg [dreg:$0x1];
	s13 =	simm.s32 $0x48;
	s21 =	simm.s32 $0xC8  }
0x4: {  	s22 =	simm.s32 $0x3840;
	s28 =	simm.s32 $0x320;
	s29 =	simm.s32 $0xCE40  }
0x5: {  	s14 =	simm.s32 $0x578;
	s15 =	simm.s32 $0x16440;
	s16 =	simm.s32 $0x5F8  }
0x6: {  	s17 =	simm.s32 $0x18440;
	s18 =	simm.s32 $0x1;
	s19 =	simm.s32 $0x2  }
0x7: {  	s30 =	simm.s32 $0x5840;
	s31 =	simm.s32 $0x190;
	s11 =	smul.u32 $0x64000, s12  }
0x8: {  	s0 =	sand.u32 $0x1, s0;
	s1 =	sshll.u32 s12, $0x8;
	s24 =	smul.u32 $0x1900, s12  }
0x9: {  	s12 =	simm.s32 $0x640;
	s2 =	sshll.u32 s0, $0x7;
	s23 =	smul.u32 $0x32000, s0  }
0xa: {  	s8 =	ssub.s32 $0x2, s0;
	s0 =	smul.u32 $0xC80, s0;
	s1 =	sor.u32 s2, s1  }
0xb: {  	s2 =	simm.s32 $0x0;
	s10 =	sshrl.u32 s8, $0x1;
	s25 =	sadd.s32 s11, s5  }
0xc: {  	s11 =	simm.s32 $0x80;
	s6 =	smul.u32 $0x19, s1;
	s3 =	sor.u32 $0x7C, s1  }
0xd: {  	[smem:$0x7FF] =	sst s2;
	s1 =	smul.u32 $0x3200, s1;
	s8 =	ssub.s32 s8, s10  }
0xe: {  	s10 =	simm.s32 $0x3;
	s7 =	smul.u32 $0x19, s3;
	_ =	strace $0x80000047  }
0xf: {  	s9 =	smul.u32 $0x640, s3;
	s3 =	sadd.s32 $0x19800, s4;
	s4 =	sadd.s32 $0x800, s4  }
0x10: {  	s26 =	smax.u32 s8, $0x1;
	s8 =	simm.s32 $0xBC40;
	s6 =	sadd.s32 s4, s6  }
0x11: {  	s1 =	sshrl.u32 s1, $0x3;
	[dreg:$0x8] =	wrdreg s26;
	s26 =	simm.s32 $0x190  }
0x12: {  	[dreg:$0x4] =	wrdreg s6;
	s7 =	sadd.s32 s4, s7;
	s1 =	sadd.s32 s5, s1  }
0x13: {  	s4 =	sadd.s32 s24, s4;
	s5 =	sadd.s32 s5, s9;
	s24 =	simm.s32 $0x148  }
0x14: {  	s6 =	simm.s32 $0x9C40;
	s9 =	simm.s32 $0x0;
	[dreg:$0x5] =	wrdreg s7  }
0x15: {  	s1 =	sadd.s32 $0x2EE00, s1;
	[dreg:$0x7] =	wrdreg s5;
	s0 =	sadd.s32 s0, s4  }
0x16: {  	s4 =	simm.s32 $0x8A40;
	s5 =	simm.s32 $0x258;
	s7 =	simm.s32 $0x2D8  }
0x17: {  	[dreg:$0x6] =	wrdreg s1;
	s1 =	sadd.s32 s23, s25;
	s0 =	sadd.s32 $0x64, s0  }
0x18: {  	s23 =	simm.s32 $0x2640;
	s25 =	simm.s32 $0x5840;
	[dreg:$0x3] =	wrdreg s1  }
0x19: {  	[dreg:$0x9] =	wrdreg s0;
	s1 =	simm.s32 $0x6A40;
	s0 =	simm.s32 $0x210  }
.LBB2_1:
0x1a: {  	[dreg:$0xa] =	wrdreg s9  }
0x1b: {  	s20 =	rddreg [dreg:$0x4]  }
0x1c: {  	[tilespmem:s2], [sflag:$0x3] =	stream.linear.gather [hbm4b:s20+s2], $0x320, $0x38;
	[tilespmem:$0x19640] =	vst v63  }
0x1d: {  	_ =	swait.ge [sflag:s10], $0x320  }
0x1e: {  	[sflag:s10] =	ssyncset.done $0x0  }
0x1f: {  	[sflag:s10] =	ssyncadd.s32 $0xFFFFFCE0  }
0x20: {  	[tilespmem:s12], [sflag:$0x1] =	stream.indirect.gather [hbm4b:s3+s11], $0x40, s2, s11, $0xb8;
	[tilespmem:$0x19640] =	vst v63  }
0x21: {  	_ = 	snop  }
0x22: {  	[tilespmem:s23], [sflag:$0x1] =	stream.indirect.gather [hbm4b:s3+s13], $0x40, s11, s13, $0xb8;
	[tilespmem:$0x19640] =	vst v63  }
0x23: {  	_ = 	snop  }
0x24: {  	[tilespmem:s22], [sflag:$0x1] =	stream.indirect.gather [hbm4b:s3+s11], $0x40, s21, s11, $0xb8;
	[tilespmem:$0x19640] =	vst v63  }
0x25: {  	_ = 	snop  }
0x26: {  	[tilespmem:s25], [sflag:$0x1] =	stream.indirect.gather [hbm4b:s3+s13], $0x40, s24, s13, $0xb8;
	[tilespmem:$0x19640] =	vst v63  }
0x27: {  	_ = 	snop  }
0x28: {  	[tilespmem:s1], [sflag:$0x1] =	stream.indirect.gather [hbm4b:s3+s11], $0x40, s26, s11, $0xb8;
	[tilespmem:$0x19640] =	vst v63  }
0x29: {  	_ = 	snop  }
0x2a: {  	[tilespmem:s4], [sflag:$0x1] =	stream.indirect.gather [hbm4b:s3+s13], $0x40, s0, s13, $0xb8;
	[tilespmem:$0x19640] =	vst v63  }
0x2b: {  	_ = 	snop  }
0x2c: {  	[tilespmem:s6], [sflag:$0x1] =	stream.indirect.gather [hbm4b:s3+s11], $0x40, s5, s11, $0xb8;
	[tilespmem:$0x19640] =	vst v63  }
0x2d: {  	_ = 	snop  }
0x2e: {  	[tilespmem:s8], [sflag:$0x1] =	stream.indirect.gather [hbm4b:s3+s13], $0x40, s7, s13, $0xb8;
	[tilespmem:$0x19640] =	vst v63  }
0x2f: {  	s22 =	rddreg [dreg:$0x9]  }
0x30: {  	[tilespmem:s28], [sflag:$0x3] =	stream.linear.gather [hbm4b:s22+s2], $0x320, $0x38;
	[tilespmem:$0x19640] =	vst v63  }
0x31: {  	_ =	swait.ge [sflag:s10], $0x320  }
0x32: {  	[sflag:s10] =	ssyncset.done $0x0  }
0x33: {  	[sflag:s10] =	ssyncadd.s32 $0xFFFFFCE0  }
0x34: {  	[tilespmem:s29], [sflag:$0x2] =	stream.indirect.gather [hbm4b:s3+s11], $0x40, s28, s11, $0xb8;
	[tilespmem:$0x19640] =	vst v63  }
0x35: {  	s9 =	simm.s32 $0xEE40;
	s26 =	simm.s32 $0x3A0  }
0x36: {  	[tilespmem:s9], [sflag:$0x2] =	stream.indirect.gather [hbm4b:s3+s13], $0x40, s26, s13, $0xb8;
	[tilespmem:$0x19640] =	vst v63  }
0x37: {  	s24 =	simm.s32 $0x3E8;
	s26 =	simm.s32 $0x10040  }
0x38: {  	[tilespmem:s26], [sflag:$0x2] =	stream.indirect.gather [hbm4b:s3+s11], $0x40, s24, s11, $0xb8;
	[tilespmem:$0x19640] =	vst v63  }
0x39: {  	s20 =	simm.s32 $0x468;
	s21 =	simm.s32 $0x12040  }
0x3a: {  	[tilespmem:s21], [sflag:$0x2] =	stream.indirect.gather [hbm4b:s3+s13], $0x40, s20, s13, $0xb8;
	[tilespmem:$0x19640] =	vst v63  }
0x3b: {  	s24 =	simm.s32 $0x4B0;
	s26 =	simm.s32 $0x13240  }
0x3c: {  	[tilespmem:s26], [sflag:$0x2] =	stream.indirect.gather [hbm4b:s3+s11], $0x40, s24, s11, $0xb8;
	[tilespmem:$0x19640] =	vst v63  }
0x3d: {  	s21 =	simm.s32 $0x530;
	s24 =	simm.s32 $0x15240  }
0x3e: {  	[tilespmem:s24], [sflag:$0x2] =	stream.indirect.gather [hbm4b:s3+s13], $0x40, s21, s13, $0xb8;
	[tilespmem:$0x19640] =	vst v63  }
0x3f: {  	_ = 	snop  }
0x40: {  	[tilespmem:s15], [sflag:$0x2] =	stream.indirect.gather [hbm4b:s3+s11], $0x40, s14, s11, $0xb8;
	[tilespmem:$0x19640] =	vst v63  }
0x41: {  	_ = 	snop  }
0x42: {  	[tilespmem:s17], [sflag:$0x2] =	stream.indirect.gather [hbm4b:s3+s13], $0x40, s16, s13, $0xb8;
	[tilespmem:$0x19640] =	vst v63  }
0x43: {  	_ =	swait.ge [sflag:s18], $0x2000  }
0x44: {  	[sflag:s18] =	ssyncset.done $0x0  }
0x45: {  	[sflag:s18] =	ssyncadd.s32 $0xFFFFE000  }
0x46: {  	_ =	swait.ge [sflag:s18], $0x1200  }
0x47: {  	[sflag:s18] =	ssyncset.done $0x0  }
0x48: {  	[sflag:s18] =	ssyncadd.s32 $0xFFFFEE00  }
0x49: {  	_ =	swait.ge [sflag:s18], $0x2000  }
0x4a: {  	[sflag:s18] =	ssyncset.done $0x0  }
0x4b: {  	[sflag:s18] =	ssyncadd.s32 $0xFFFFE000  }
0x4c: {  	_ =	swait.ge [sflag:s18], $0x1200  }
0x4d: {  	[sflag:s18] =	ssyncset.done $0x0  }
0x4e: {  	[sflag:s18] =	ssyncadd.s32 $0xFFFFEE00  }
0x4f: {  	_ =	swait.ge [sflag:s18], $0x2000  }
0x50: {  	[sflag:s18] =	ssyncset.done $0x0  }
0x51: {  	[sflag:s18] =	ssyncadd.s32 $0xFFFFE000  }
0x52: {  	_ =	swait.ge [sflag:s18], $0x1200  }
0x53: {  	[sflag:s18] =	ssyncset.done $0x0  }
0x54: {  	[sflag:s18] =	ssyncadd.s32 $0xFFFFEE00  }
0x55: {  	_ =	swait.ge [sflag:s18], $0x2000  }
0x56: {  	[sflag:s18] =	ssyncset.done $0x0  }
0x57: {  	[sflag:s18] =	ssyncadd.s32 $0xFFFFE000  }
0x58: {  	_ =	swait.ge [sflag:s18], $0x1200  }
0x59: {  	s26 =	rddreg [dreg:$0x3];
	[sflag:s18] =	ssyncset.done $0x0  }
0x5a: {  	[sflag:s18] =	ssyncadd.s32 $0xFFFFEE00;
	s20 =	sadd.s32 $0x0, s26  }
0x5b: {  	[hbm4b:s20+s2] =	stream.linear.scatter [tilespmem:s12], [sflag:$0x3], $0xC800, $0x38;
	[tilespmem:$0x19640] =	vst v63  }
0x5c: {  	_ =	swait.ge [sflag:s10], $0xC800  }
0x5d: {  	[sflag:s10] =	ssyncset.done $0x0  }
0x5e: {  	s9 =	sadd.s32 $0x64, s22;
	[sflag:s10] =	ssyncadd.s32 $0xFFFF3800  }
0x5f: {  	[tilespmem:s2], [sflag:$0x3] =	stream.linear.gather [hbm4b:s9+s2], $0x320, $0x38;
	[tilespmem:$0x19640] =	vst v63  }
0x60: {  	_ =	swait.ge [sflag:s10], $0x320  }
0x61: {  	[sflag:s10] =	ssyncset.done $0x0  }
0x62: {  	[sflag:s10] =	ssyncadd.s32 $0xFFFFFCE0  }
0x63: {  	[tilespmem:s12], [sflag:$0x1] =	stream.indirect.gather [hbm4b:s3+s11], $0x40, s2, s11, $0xb8;
	[tilespmem:$0x19640] =	vst v63  }
0x64: {  	_ = 	snop  }
0x65: {  	[tilespmem:s23], [sflag:$0x1] =	stream.indirect.gather [hbm4b:s3+s13], $0x40, s11, s13, $0xb8;
	[tilespmem:$0x19640] =	vst v63  }
0x66: {  	s25 =	simm.s32 $0x3840;
	s24 =	simm.s32 $0xC8  }
0x67: {  	[tilespmem:s25], [sflag:$0x1] =	stream.indirect.gather [hbm4b:s3+s11], $0x40, s24, s11, $0xb8;
	[tilespmem:$0x19640] =	vst v63  }
0x68: {  	s26 =	simm.s32 $0x148  }
0x69: {  	[tilespmem:s30], [sflag:$0x1] =	stream.indirect.gather [hbm4b:s3+s13], $0x40, s26, s13, $0xb8;
	[tilespmem:$0x19640] =	vst v63  }
0x6a: {  	s1 =	simm.s32 $0x6A40  }
0x6b: {  	[tilespmem:s1], [sflag:$0x1] =	stream.indirect.gather [hbm4b:s3+s11], $0x40, s31, s11, $0xb8;
	[tilespmem:$0x19640] =	vst v63  }
0x6c: {  	s0 =	simm.s32 $0x210;
	s4 =	simm.s32 $0x8A40  }
0x6d: {  	[tilespmem:s4], [sflag:$0x1] =	stream.indirect.gather [hbm4b:s3+s13], $0x40, s0, s13, $0xb8;
	[tilespmem:$0x19640] =	vst v63  }
0x6e: {  	s5 =	simm.s32 $0x258;
	s6 =	simm.s32 $0x9C40  }
0x6f: {  	[tilespmem:s6], [sflag:$0x1] =	stream.indirect.gather [hbm4b:s3+s11], $0x40, s5, s11, $0xb8;
	[tilespmem:$0x19640] =	vst v63  }
0x70: {  	s7 =	simm.s32 $0x2D8;
	s8 =	simm.s32 $0xBC40  }
0x71: {  	[tilespmem:s8], [sflag:$0x1] =	stream.indirect.gather [hbm4b:s3+s13], $0x40, s7, s13, $0xb8;
	[tilespmem:$0x19640] =	vst v63  }
0x72: {  	_ =	swait.ge [sflag:s19], $0x2000  }
0x73: {  	[sflag:s19] =	ssyncset.done $0x0  }
0x74: {  	[sflag:s19] =	ssyncadd.s32 $0xFFFFE000  }
0x75: {  	_ =	swait.ge [sflag:s19], $0x1200  }
0x76: {  	[sflag:s19] =	ssyncset.done $0x0  }
0x77: {  	[sflag:s19] =	ssyncadd.s32 $0xFFFFEE00  }
0x78: {  	_ =	swait.ge [sflag:s19], $0x2000  }
0x79: {  	[sflag:s19] =	ssyncset.done $0x0  }
0x7a: {  	[sflag:s19] =	ssyncadd.s32 $0xFFFFE000  }
0x7b: {  	_ =	swait.ge [sflag:s19], $0x1200  }
0x7c: {  	[sflag:s19] =	ssyncset.done $0x0  }
0x7d: {  	[sflag:s19] =	ssyncadd.s32 $0xFFFFEE00  }
0x7e: {  	_ =	swait.ge [sflag:s19], $0x2000  }
0x7f: {  	[sflag:s19] =	ssyncset.done $0x0  }
0x80: {  	[sflag:s19] =	ssyncadd.s32 $0xFFFFE000  }
0x81: {  	_ =	swait.ge [sflag:s19], $0x1200  }
0x82: {  	[sflag:s19] =	ssyncset.done $0x0  }
0x83: {  	[sflag:s19] =	ssyncadd.s32 $0xFFFFEE00  }
0x84: {  	_ =	swait.ge [sflag:s19], $0x2000  }
0x85: {  	[sflag:s19] =	ssyncset.done $0x0  }
0x86: {  	[sflag:s19] =	ssyncadd.s32 $0xFFFFE000  }
0x87: {  	_ =	swait.ge [sflag:s19], $0x1200  }
0x88: {  	[sflag:s19] =	ssyncset.done $0x0  }
0x89: {  	s20 =	sadd.s32 $0x1900, s20;
	[sflag:s19] =	ssyncadd.s32 $0xFFFFEE00  }
0x8a: {  	[hbm4b:s20+s2] =	stream.linear.scatter [tilespmem:s29], [sflag:$0x3], $0xC800, $0x38;
	[tilespmem:$0x19640] =	vst v63  }
0x8b: {  	_ =	swait.ge [sflag:s10], $0xC800  }
0x8c: {  	s21 =	smov.u32 s22;
	s20 =	simm.s32 $0x3200;
	[sflag:s10] =	ssyncset.done $0x0  }
.LBB2_2:
0x8d: {  	[sflag:s10] =	ssyncadd.s32 $0xFFFF3800;
	s21 =	sadd.s32 $0xC8, s21  }
0x8e: {  	[tilespmem:s28], [sflag:$0x3] =	stream.linear.gather [hbm4b:s21+s2], $0x320, $0x38;
	[tilespmem:$0x19640] =	vst v63  }
0x8f: {  	_ =	swait.ge [sflag:s10], $0x320  }
0x90: {  	[sflag:s10] =	ssyncset.done $0x0  }
0x91: {  	[sflag:s10] =	ssyncadd.s32 $0xFFFFFCE0  }
0x92: {  	[tilespmem:s29], [sflag:$0x2] =	stream.indirect.gather [hbm4b:s3+s11], $0x40, s28, s11, $0xb8;
	[tilespmem:$0x19640] =	vst v63  }
0x93: {  	s23 =	simm.s32 $0x3A0;
	s9 =	simm.s32 $0xEE40  }
0x94: {  	[tilespmem:s9], [sflag:$0x2] =	stream.indirect.gather [hbm4b:s3+s13], $0x40, s23, s13, $0xb8;
	[tilespmem:$0x19640] =	vst v63  }
0x95: {  	s9 =	simm.s32 $0x3E8;
	s23 =	simm.s32 $0x10040  }
0x96: {  	[tilespmem:s23], [sflag:$0x2] =	stream.indirect.gather [hbm4b:s3+s11], $0x40, s9, s11, $0xb8;
	[tilespmem:$0x19640] =	vst v63  }
0x97: {  	s9 =	simm.s32 $0x468;
	s23 =	simm.s32 $0x12040  }
0x98: {  	[tilespmem:s23], [sflag:$0x2] =	stream.indirect.gather [hbm4b:s3+s13], $0x40, s9, s13, $0xb8;
	[tilespmem:$0x19640] =	vst v63  }
0x99: {  	s9 =	simm.s32 $0x4B0;
	s23 =	simm.s32 $0x13240  }
0x9a: {  	[tilespmem:s23], [sflag:$0x2] =	stream.indirect.gather [hbm4b:s3+s11], $0x40, s9, s11, $0xb8;
	[tilespmem:$0x19640] =	vst v63  }
0x9b: {  	s9 =	simm.s32 $0x530;
	s23 =	simm.s32 $0x15240  }
0x9c: {  	[tilespmem:s23], [sflag:$0x2] =	stream.indirect.gather [hbm4b:s3+s13], $0x40, s9, s13, $0xb8;
	[tilespmem:$0x19640] =	vst v63  }
0x9d: {  	_ = 	snop  }
0x9e: {  	[tilespmem:s15], [sflag:$0x2] =	stream.indirect.gather [hbm4b:s3+s11], $0x40, s14, s11, $0xb8;
	[tilespmem:$0x19640] =	vst v63  }
0x9f: {  	_ = 	snop  }
0xa0: {  	[tilespmem:s17], [sflag:$0x2] =	stream.indirect.gather [hbm4b:s3+s13], $0x40, s16, s13, $0xb8;
	[tilespmem:$0x19640] =	vst v63  }
0xa1: {  	_ =	swait.ge [sflag:s18], $0x2000  }
0xa2: {  	[sflag:s18] =	ssyncset.done $0x0  }
0xa3: {  	[sflag:s18] =	ssyncadd.s32 $0xFFFFE000  }
0xa4: {  	_ =	swait.ge [sflag:s18], $0x1200  }
0xa5: {  	[sflag:s18] =	ssyncset.done $0x0  }
0xa6: {  	[sflag:s18] =	ssyncadd.s32 $0xFFFFEE00  }
0xa7: {  	_ =	swait.ge [sflag:s18], $0x2000  }
0xa8: {  	[sflag:s18] =	ssyncset.done $0x0  }
0xa9: {  	[sflag:s18] =	ssyncadd.s32 $0xFFFFE000  }
0xaa: {  	_ =	swait.ge [sflag:s18], $0x1200  }
0xab: {  	[sflag:s18] =	ssyncset.done $0x0  }
0xac: {  	[sflag:s18] =	ssyncadd.s32 $0xFFFFEE00  }
0xad: {  	_ =	swait.ge [sflag:s18], $0x2000  }
0xae: {  	[sflag:s18] =	ssyncset.done $0x0  }
0xaf: {  	[sflag:s18] =	ssyncadd.s32 $0xFFFFE000  }
0xb0: {  	_ =	swait.ge [sflag:s18], $0x1200  }
0xb1: {  	[sflag:s18] =	ssyncset.done $0x0  }
0xb2: {  	[sflag:s18] =	ssyncadd.s32 $0xFFFFEE00  }
0xb3: {  	_ =	swait.ge [sflag:s18], $0x2000  }
0xb4: {  	[sflag:s18] =	ssyncset.done $0x0  }
0xb5: {  	[sflag:s18] =	ssyncadd.s32 $0xFFFFE000  }
0xb6: {  	_ =	swait.ge [sflag:s18], $0x1200  }
0xb7: {  	s22 =	smov.u32 s20;
	s9 =	rddreg [dreg:$0x3];
	[sflag:s18] =	ssyncset.done $0x0  }
0xb8: {  	[sflag:s18] =	ssyncadd.s32 $0xFFFFEE00;
	s22 =	sadd.s32 s22, s9  }
0xb9: {  	[hbm4b:s22+s2] =	stream.linear.scatter [tilespmem:s12], [sflag:$0x3], $0xC800, $0x38;
	[tilespmem:$0x19640] =	vst v63  }
0xba: {  	_ =	swait.ge [sflag:s10], $0xC800  }
0xbb: {  	[sflag:s10] =	ssyncset.done $0x0  }
0xbc: {  	s9 =	sadd.s32 $0x64, s21;
	[sflag:s10] =	ssyncadd.s32 $0xFFFF3800  }
0xbd: {  	[tilespmem:s2], [sflag:$0x3] =	stream.linear.gather [hbm4b:s9+s2], $0x320, $0x38;
	[tilespmem:$0x19640] =	vst v63  }
0xbe: {  	_ =	swait.ge [sflag:s10], $0x320  }
0xbf: {  	[sflag:s10] =	ssyncset.done $0x0  }
0xc0: {  	[sflag:s10] =	ssyncadd.s32 $0xFFFFFCE0  }
0xc1: {  	[tilespmem:s12], [sflag:$0x1] =	stream.indirect.gather [hbm4b:s3+s11], $0x40, s2, s11, $0xb8;
	[tilespmem:$0x19640] =	vst v63  }
0xc2: {  	s23 =	simm.s32 $0x2640  }
0xc3: {  	[tilespmem:s23], [sflag:$0x1] =	stream.indirect.gather [hbm4b:s3+s13], $0x40, s11, s13, $0xb8;
	[tilespmem:$0x19640] =	vst v63  }
0xc4: {  	_ = 	snop  }
0xc5: {  	[tilespmem:s25], [sflag:$0x1] =	stream.indirect.gather [hbm4b:s3+s11], $0x40, s24, s11, $0xb8;
	[tilespmem:$0x19640] =	vst v63  }
0xc6: {  	_ = 	snop  }
0xc7: {  	[tilespmem:s30], [sflag:$0x1] =	stream.indirect.gather [hbm4b:s3+s13], $0x40, s26, s13, $0xb8;
	[tilespmem:$0x19640] =	vst v63  }
0xc8: {  	_ = 	snop  }
0xc9: {  	[tilespmem:s1], [sflag:$0x1] =	stream.indirect.gather [hbm4b:s3+s11], $0x40, s31, s11, $0xb8;
	[tilespmem:$0x19640] =	vst v63  }
0xca: {  	_ = 	snop  }
0xcb: {  	[tilespmem:s4], [sflag:$0x1] =	stream.indirect.gather [hbm4b:s3+s13], $0x40, s0, s13, $0xb8;
	[tilespmem:$0x19640] =	vst v63  }
0xcc: {  	_ = 	snop  }
0xcd: {  	[tilespmem:s6], [sflag:$0x1] =	stream.indirect.gather [hbm4b:s3+s11], $0x40, s5, s11, $0xb8;
	[tilespmem:$0x19640] =	vst v63  }
0xce: {  	_ = 	snop  }
0xcf: {  	[tilespmem:s8], [sflag:$0x1] =	stream.indirect.gather [hbm4b:s3+s13], $0x40, s7, s13, $0xb8;
	[tilespmem:$0x19640] =	vst v63  }
0xd0: {  	_ =	swait.ge [sflag:s19], $0x2000  }
0xd1: {  	[sflag:s19] =	ssyncset.done $0x0  }
0xd2: {  	[sflag:s19] =	ssyncadd.s32 $0xFFFFE000  }
0xd3: {  	_ =	swait.ge [sflag:s19], $0x1200  }
0xd4: {  	[sflag:s19] =	ssyncset.done $0x0  }
0xd5: {  	[sflag:s19] =	ssyncadd.s32 $0xFFFFEE00  }
0xd6: {  	_ =	swait.ge [sflag:s19], $0x2000  }
0xd7: {  	[sflag:s19] =	ssyncset.done $0x0  }
0xd8: {  	[sflag:s19] =	ssyncadd.s32 $0xFFFFE000  }
0xd9: {  	_ =	swait.ge [sflag:s19], $0x1200  }
0xda: {  	[sflag:s19] =	ssyncset.done $0x0  }
0xdb: {  	[sflag:s19] =	ssyncadd.s32 $0xFFFFEE00  }
0xdc: {  	_ =	swait.ge [sflag:s19], $0x2000  }
0xdd: {  	[sflag:s19] =	ssyncset.done $0x0  }
0xde: {  	[sflag:s19] =	ssyncadd.s32 $0xFFFFE000  }
0xdf: {  	_ =	swait.ge [sflag:s19], $0x1200  }
0xe0: {  	[sflag:s19] =	ssyncset.done $0x0  }
0xe1: {  	[sflag:s19] =	ssyncadd.s32 $0xFFFFEE00  }
0xe2: {  	_ =	swait.ge [sflag:s19], $0x2000  }
0xe3: {  	[sflag:s19] =	ssyncset.done $0x0  }
0xe4: {  	[sflag:s19] =	ssyncadd.s32 $0xFFFFE000  }
0xe5: {  	p0 =	sne.s32 s20, $0x2BC00;
	_ =	swait.ge [sflag:s19], $0x1200  }
.Ltmp0:
0xe6: {  	[sflag:s19] =	ssyncset.done $0x0;
	(pc) =	sbr.rel @p0 .LBB2_2-.Ltmp0, $4  }
0xe7: {  	s22 =	sadd.s32 $0x1900, s22;
	[sflag:s19] =	ssyncadd.s32 $0xFFFFEE00  }
0xe8: {  	[hbm4b:s22+s2] =	stream.linear.scatter [tilespmem:s29], [sflag:$0x3], $0xC800, $0x38;
	[tilespmem:$0x19640] =	vst v63  }
0xe9: {  	_ =	swait.ge [sflag:s10], $0xC800  }
0xea: {  	s20 =	sadd.s32 $0x3200, s20;
	[sflag:s10] =	ssyncset.done $0x0  }
0xeb: {  	[sflag:s10] =	ssyncadd.s32 $0xFFFF3800;
	s20 =	rddreg [dreg:$0x5]  }
0xec: {  	[tilespmem:s28], [sflag:$0x3] =	stream.linear.gather [hbm4b:s20+s2], $0x320, $0x38;
	[tilespmem:$0x19640] =	vst v63  }
0xed: {  	_ =	swait.ge [sflag:s10], $0x320  }
0xee: {  	[sflag:s10] =	ssyncset.done $0x0  }
0xef: {  	[sflag:s10] =	ssyncadd.s32 $0xFFFFFCE0  }
0xf0: {  	[tilespmem:s29], [sflag:$0x2] =	stream.indirect.gather [hbm4b:s3+s11], $0x40, s28, s11, $0xb8;
	[tilespmem:$0x19640] =	vst v63  }
0xf1: {  	s0 =	simm.s32 $0x3A0;
	s1 =	simm.s32 $0xEE40  }
0xf2: {  	[tilespmem:s1], [sflag:$0x2] =	stream.indirect.gather [hbm4b:s3+s13], $0x40, s0, s13, $0xb8;
	[tilespmem:$0x19640] =	vst v63  }
0xf3: {  	s5 =	simm.s32 $0x3E8;
	s6 =	simm.s32 $0x10040  }
0xf4: {  	[tilespmem:s6], [sflag:$0x2] =	stream.indirect.gather [hbm4b:s3+s11], $0x40, s5, s11, $0xb8;
	[tilespmem:$0x19640] =	vst v63  }
0xf5: {  	s7 =	simm.s32 $0x468;
	s8 =	simm.s32 $0x12040  }
0xf6: {  	[tilespmem:s8], [sflag:$0x2] =	stream.indirect.gather [hbm4b:s3+s13], $0x40, s7, s13, $0xb8;
	[tilespmem:$0x19640] =	vst v63  }
0xf7: {  	s9 =	simm.s32 $0x4B0;
	s20 =	simm.s32 $0x13240  }
0xf8: {  	[tilespmem:s20], [sflag:$0x2] =	stream.indirect.gather [hbm4b:s3+s11], $0x40, s9, s11, $0xb8;
	[tilespmem:$0x19640] =	vst v63  }
0xf9: {  	s21 =	simm.s32 $0x530;
	s22 =	simm.s32 $0x15240  }
0xfa: {  	[tilespmem:s22], [sflag:$0x2] =	stream.indirect.gather [hbm4b:s3+s13], $0x40, s21, s13, $0xb8;
	[tilespmem:$0x19640] =	vst v63  }
0xfb: {  	_ = 	snop  }
0xfc: {  	[tilespmem:s15], [sflag:$0x2] =	stream.indirect.gather [hbm4b:s3+s11], $0x40, s14, s11, $0xb8;
	[tilespmem:$0x19640] =	vst v63  }
0xfd: {  	_ = 	snop  }
0xfe: {  	[tilespmem:s17], [sflag:$0x2] =	stream.indirect.gather [hbm4b:s3+s13], $0x40, s16, s13, $0xb8;
	[tilespmem:$0x19640] =	vst v63  }
0xff: {  	_ =	swait.ge [sflag:s18], $0x2000  }
0x100: {  	[sflag:s18] =	ssyncset.done $0x0  }
0x101: {  	[sflag:s18] =	ssyncadd.s32 $0xFFFFE000  }
0x102: {  	_ =	swait.ge [sflag:s18], $0x1200  }
0x103: {  	[sflag:s18] =	ssyncset.done $0x0  }
0x104: {  	[sflag:s18] =	ssyncadd.s32 $0xFFFFEE00  }
0x105: {  	_ =	swait.ge [sflag:s18], $0x2000  }
0x106: {  	[sflag:s18] =	ssyncset.done $0x0  }
0x107: {  	[sflag:s18] =	ssyncadd.s32 $0xFFFFE000  }
0x108: {  	_ =	swait.ge [sflag:s18], $0x1200  }
0x109: {  	[sflag:s18] =	ssyncset.done $0x0  }
0x10a: {  	[sflag:s18] =	ssyncadd.s32 $0xFFFFEE00  }
0x10b: {  	_ =	swait.ge [sflag:s18], $0x2000  }
0x10c: {  	[sflag:s18] =	ssyncset.done $0x0  }
0x10d: {  	[sflag:s18] =	ssyncadd.s32 $0xFFFFE000  }
0x10e: {  	_ =	swait.ge [sflag:s18], $0x1200  }
0x10f: {  	[sflag:s18] =	ssyncset.done $0x0  }
0x110: {  	[sflag:s18] =	ssyncadd.s32 $0xFFFFEE00  }
0x111: {  	_ =	swait.ge [sflag:s18], $0x2000  }
0x112: {  	[sflag:s18] =	ssyncset.done $0x0  }
0x113: {  	[sflag:s18] =	ssyncadd.s32 $0xFFFFE000  }
0x114: {  	_ =	swait.ge [sflag:s18], $0x1200  }
0x115: {  	[sflag:s18] =	ssyncset.done $0x0  }
0x116: {  	s24 =	rddreg [dreg:$0x6];
	[sflag:s18] =	ssyncadd.s32 $0xFFFFEE00  }
0x117: {  	[hbm4b:s24+s2] =	stream.linear.scatter [tilespmem:s12], [sflag:$0x3], $0xC800, $0x38;
	[tilespmem:$0x19640] =	vst v63  }
0x118: {  	_ =	swait.ge [sflag:s10], $0xC800  }
0x119: {  	[sflag:s10] =	ssyncset.done $0x0  }
0x11a: {  	[sflag:s10] =	ssyncadd.s32 $0xFFFF3800  }
0x11b: {  	_ =	swait.ge [sflag:s19], $0x2000  }
0x11c: {  	[sflag:s19] =	ssyncset.done $0x0  }
0x11d: {  	[sflag:s19] =	ssyncadd.s32 $0xFFFFE000  }
0x11e: {  	_ =	swait.ge [sflag:s19], $0x1200  }
0x11f: {  	[sflag:s19] =	ssyncset.done $0x0  }
0x120: {  	[sflag:s19] =	ssyncadd.s32 $0xFFFFEE00  }
0x121: {  	_ =	swait.ge [sflag:s19], $0x2000  }
0x122: {  	[sflag:s19] =	ssyncset.done $0x0  }
0x123: {  	[sflag:s19] =	ssyncadd.s32 $0xFFFFE000  }
0x124: {  	_ =	swait.ge [sflag:s19], $0x1200  }
0x125: {  	[sflag:s19] =	ssyncset.done $0x0  }
0x126: {  	[sflag:s19] =	ssyncadd.s32 $0xFFFFEE00  }
0x127: {  	_ =	swait.ge [sflag:s19], $0x2000  }
0x128: {  	[sflag:s19] =	ssyncset.done $0x0  }
0x129: {  	[sflag:s19] =	ssyncadd.s32 $0xFFFFE000  }
0x12a: {  	_ =	swait.ge [sflag:s19], $0x1200  }
0x12b: {  	[sflag:s19] =	ssyncset.done $0x0  }
0x12c: {  	[sflag:s19] =	ssyncadd.s32 $0xFFFFEE00  }
0x12d: {  	_ =	swait.ge [sflag:s19], $0x2000  }
0x12e: {  	[sflag:s19] =	ssyncset.done $0x0  }
0x12f: {  	[sflag:s19] =	ssyncadd.s32 $0xFFFFE000  }
0x130: {  	_ =	swait.ge [sflag:s19], $0x1200  }
0x131: {  	[sflag:s19] =	ssyncset.done $0x0  }
0x132: {  	s25 =	rddreg [dreg:$0x7];
	[sflag:s19] =	ssyncadd.s32 $0xFFFFEE00  }
0x133: {  	[hbm4b:s25+s2] =	stream.linear.scatter [tilespmem:s29], [sflag:$0x3], $0xC800, $0x38;
	[tilespmem:$0x19640] =	vst v63  }
0x134: {  	_ =	swait.ge [sflag:s10], $0xC800  }
0x135: {  	s9 =	rddreg [dreg:$0xa]  }
0x136: {  	s26 =	rddreg [dreg:$0x8];
	s9 =	sadd.s32 $0x1, s9  }
0x137: {  	p0 =	sne.s32 s9, s26  }
.Ltmp1:
0x138: {  	s4 =	simm.s32 $0x8A40;
	s1 =	simm.s32 $0x6A40;
	(pc) =	sbr.rel @p0 .LBB2_1-.Ltmp1, $4  }
0x139: {  	s0 =	simm.s32 $0x210;
	s5 =	simm.s32 $0x258;
	s6 =	simm.s32 $0x9C40  }
0x13a: {  	s7 =	simm.s32 $0x2D8;
	s8 =	simm.s32 $0xBC40;
	s21 =	simm.s32 $0xC8  }
0x13b: {  	s22 =	simm.s32 $0x3840;
	s24 =	simm.s32 $0x148;
	[sflag:s10] =	ssyncset.done $0x0  }
0x13c: {  	s25 =	simm.s32 $0x5840;
	[sflag:s10] =	ssyncadd.s32 $0xFFFF3800;
	s26 =	simm.s32 $0x190  }
0x13d: {  	_ =	sfence.sel $0x180000  }
0x13e: {  	[bflag:$0x0] =	sbarrier.arrive $0xFFFF  }
0x13f: {  	_ =	strace $0x90000047  }
0x140: {  	s0 =	stileid.u32;
	[bflag:$0x2] =	sbarrier.arrive $0xFFFF  }
0x141: {  	p0 =	sne.s32 s0, $0x0;
	s0 =	rddreg [dreg:$0x2]  }
0x142: {  	s0 =	sadd.s32 @!p0 $0x100000, s0  }
0x143: {  	[sflag:s0] =	ssyncadd.tile.s32 @!p0 $0x1;
	_ =	shalt  }
.Lfunc_end2:
_tile_overlayer_lowered:
.L_overlay_start_2:
0x144: {  	(tag) =	ssettag $0x2  }
0x145: {  	s0 =	rddreg [dreg:$0x0];
	s2 =	stileid.u32  }
0x146: {  	s1 =	rddreg [dreg:$0x1];
	p0 =	sne.s32 s2, $0x0  }
0x147: {  	s3 =	rddreg [dreg:$0x2];
	[bflag:$0x3] =	sbarrier.arrive $0xFFFF;
	s2 =	simm.s32 @!p0 $0x1C03  }
0x148: {  	[timem:s3], [sflag:s2] =	dma.local @!p0 [hbm:s0], s1  }
0x149: {  	s0 =	simm.s32 @!p0 $0x3  }
0x14a: {  	_ =	swait.ge @!p0 [sflag:s0], s1  }
0x14b: {  	s1 =	ssub.s32 @!p0 $0x0, s1;
	[sflag:s0] =	ssyncset.done @!p0 $0x0  }
0x14c: {  	[sflag:s0] =	ssyncadd.s32 @!p0 s1  }
0x14d: {  	[bflag:$0x3] =	sbarrier.arrive $0xFFFF  }
0x14e: {  	_ =	shalt  }

// kernel: sparse-core-data-format-call.cloned.1.call-start
scs
called_computation_lowered:
.L_overlay_start_0:
0x0: {  	s2 =	sld [smem:$0x3FD9]  }
0x1: {  	s3 =	sld [smem:$0x3FFE];
	_ =	sdelay $0x1  }
0x2: {  	s1 =	srdreg.scid  }
0x3: {  	s0 =	sand.u32 $0x1, s1  }
0x4: {  	s18 =	sshll.u32 s0, $0xA;
	s2 =	sadd.s32 s3, s2  }
0x5: {  	s2 =	sadd.s32 s2, s18  }
0x6: {  	[smem:$0x3FC6] =	sst s2  }
0x7: {  	_ = 	snop  }
0x8: {  	s2 =	sld [smem:$0x3FD0];
	(tm) =	ssettm $0x1  }
0x9: {  	s19 =	sld [smem:$0x3FFB];
	_ =	sdelay $0x3  }
0xa: {  	_ =	strace s19  }
0xb: {  	s3 =	sld [smem:$0x3FFC];
	_ =	sdelay $0x3  }
0xc: {  	_ =	strace s3  }
0xd: {  	s3 =	sld [smem:$0x3FFD];
	_ =	sdelay $0x3  }
0xe: {  	_ =	strace s3  }
0xf: {  	_ =	strace $0x8FFFFFFF  }
0x10: {  	s20 =	sld [smem:$0x3FDB];
	_ =	sdelay $0x1  }
0x11: {  	s4 =	simm.s32 $_scs_section_size  }
0x12: {  	s5 =	simm.s32 $_size__tile_overlayer_lowered;
	s6 =	simm.s32 $_tile_overlayer_lowered  }
0x13: {  	s23 =	simm.s32 $0x1BFF;
	s22 =	sshll.u32 s6, $0x1;
	s3 =	sadd.s32 s4, s20  }
0x14: {  	s7 =	simm.s32 $0x0;
	s21 =	sshll.u32 s5, $0x1;
	s5 =	sadd.s32 s22, s3  }
0x15: {  	[timem:s7], [sflag:s23] =	dma.local [hbm:s5], s21  }
0x16: {  	_ =	swait.ge [sflag:s23], s21  }
0x17: {  	s4 =	ssub.s32 $0x0, s21;
	[sflag:s23] =	ssyncset.done $0x0  }
0x18: {  	[sflag:s23] =	ssyncadd.s32 s4;
	_ =	sdelay $0x1  }
0x19: {  	s24 =	simm.s32 $0x1B8B  }
0x1a: {  	_ =	swait.ge [sflag:s24], $0x1  }
0x1b: {  	[sflag:s24] =	ssyncset.done $0x0  }
0x1c: {  	s26 =	simm.s32 $0x1B8E;
	s25 =	sld [smem:$0x3FFE];
	[sflag:s24] =	ssyncadd.s32 $0xFFFFFFFF  }
0x1d: {  	s27 =	simm.s32 $execute0_lowered;
	[smem:$0x3FD2] =	sst s26  }
0x1e: {  	s5 =	sshll.u32 s27, $0x1;
	_ =	strace $0x80000049;
	[dreg:$0x1] =	wrdreg $0xFFFFFFFF  }
0x1f: {  	s28 =	simm.s32 $_size_execute0_lowered;
	s3 =	sadd.s32 s3, s5;
	[dreg:$0x0] =	wrdreg $0x0  }
0x20: {  	s5 =	sshll.u32 s28, $0x1;
	[dreg:$0x2] =	wrdreg s3  }
0x21: {  	[dreg:$0x3] =	wrdreg s5  }
0x22: {  	[dreg:$0x4] =	wrdreg $0xC0  }
0x23: {  	_ =	task [dreg:s7], $0x5FFFF  }
0x24: {  	[dreg:$0x1] =	wrdreg $0xFFFFFFFF  }
0x25: {  	[dreg:$0x0] =	wrdreg $0x60  }
0x26: {  	[dreg:$0x2] =	wrdreg s25  }
0x27: {  	[dreg:$0x3] =	wrdreg s2  }
0x28: {  	[dreg:$0x4] =	wrdreg $0x9  }
0x29: {  	_ =	task.clear_ibuf [dreg:s7], $0x5FFFF;
	_ =	strace $0x90000049  }
0x2a: {  	s29 =	simm.s32 $0x9;
	_ =	strace $0x8000004B  }
0x2b: {  	_ =	swait.ge [sflag:s29], $0x1  }
0x2c: {  	[sflag:s29] =	ssyncadd.s32 $0xFFFFFFFF  }
0x2d: {  	_ =	strace $0x9000004B  }
0x2e: {  	_ =	sfence  }
0x2f: {  	s30 =	sld [smem:$0x0];
	_ =	sdelay $0x2  }
0x30: {  	s31 =	sshll.u32 s1, $0xD;
	s1 =	sshrl.u32 s1, $0x2  }
0x31: {  	s3 =	sand.u32 $0x4000, s31;
	s1 =	sadd.s32 s1, s30  }
0x32: {  	s0 =	sor.u32 s3, s0;
	s1 =	sshll.u32 s1, $0x11  }
0x33: {  	s0 =	sor.u32 s1, s0  }
0x34: {  	s0 =	sadd.s32 $0x8F2B, s0  }
0x35: {  	[sflag:s0] =	ssyncadd.remote.s32 $0x1  }
0x36: {  	_ =	sfence.sel $0xFFFF  }
0x37: {  	[dreg:$0x0] =	wrdreg $0xFFFFFFFF;
	(pc) =	sbr.abs _section_cstart, $3  }
0x38: {  	[dreg:$0x1] =	wrdreg $0xFFFFFFFF  }
0x39: {  	_ =	task.clear_ibuf [dreg:s7], $0x2FFFF;
	_ =	strace $0x9FFFFFFF  }
0x3a: {  	(tm) =	ssettm $0x7FFFFFFF  }
0x3b: {  	_ =	shalt  }
tec
execute0_lowered:
.L_overlay_start_1:
0x0: {  	(tag) =	ssettag $0x1  }
0x1: {  	s0 =	srdreg.scid  }
0x2: {  	s1 =	sshll.u32 s0, $0x4  }
0x3: {  	s0 =	stileid.u32;
	s1 =	sand.u32 $0x10, s1  }
0x4: {  	s1 =	sor.u32 s0, s1  }
0x5: {  	s6 =	rddreg [dreg:$0x0];
	s4 =	simm.s32 $0x1;
	s2 =	sshll.u32 s1, $0x7  }
0x6: {  	s7 =	simm.s32 $0x2;
	s12 =	simm.s32 $0x0;
	s1 =	ssub.s32 $0x1000, s2  }
0x7: {  	s8 =	simm.s32 $0x8000;
	s13 =	simm.s32 $0x0;
	s3 =	sand.u32 $0xF80, s1  }
0x8: {  	s9 =	simm.s32 $0x0;
	s5 =	sshrl.u32 s1, $0xC;
	p0 =	sne.s32 s3, $0x0  }
.Ltmp0:
0x9: {  	s1 =	rddreg [dreg:$0x2];
	s4 =	simm.s32 @!p0 $0x0;
	(pc) =	sbr.rel .LBB1_1-.Ltmp0, $4  }
0xa: {  	s11 =	simm.s32 $0x0;
	s3 =	rddreg [dreg:$0x1];
	s5 =	sadd.s32 s4, s5  }
0xb: {  	_ =	strace $0x8000004A;
	s4 =	simm.s32 $0x1;
	s5 =	smul.u32 $0xC8, s5  }
0xc: {  	s6 =	sadd.s32 $0x800, s6;
	s10 =	smov.u32 s2;
	[sflag:s4] =	ssyncpa.u1 $0x0  }
0xd: {  	p0 =	por $0x0, $0x0;
	[sflag:s7] =	ssyncpa.u1 $0x0;
	s7 =	sor.u32 $0x1, s5  }
.LBB1_4:
0xe: {  	s16 =	sshll.u32 s13, $0x3;
	s17 =	sand.u32 $0x78, s13  }
0xf: {  	s30 =	sand.u32 $0x7E00, s13;
	s12 =	sshll.u32 s12, $0xF;
	s16 =	sand.u32 $0xC00, s16  }
0x10: {  	[tilespmem:s15+$0x810 ss:$0x81] =	vst.msk $0xffff, v2;
	s31 =	sand.u32 $0x7, s13;
	s16 =	sor.u32 s17, s16;
	s17 =	sadd.s32 s3, s30  }
0x11: {  	[tilespmem:s15+$0x1020 ss:$0x81] =	vst.msk $0xffff, v0;
	s13 =	sshll.u32 s31, $0x12;
	s12 =	sadd.s32 s12, s17;
	s16 =	sshrl.u32 s16, $0x3  }
0x12: {  	[tilespmem:s15+$0x0 ss:$0x81] =	vst.msk $0xffff, v1;
	s13 =	sor.u32 $0x400, s13;
	s12 =	sadd.s32 s16, s12  }
0x13: {  	[hbm4b:s12+s13] =	stream.strided.scatter [tilespmem:s14], [sflag:$0x2], $0x2000, s8, s13, $0x20;
	[tilespmem:$0x8080] =	vst v63  }
.LBB1_5:
0x14: {  	s14 =	sadd.s32 $0x1, s9  }
0x15: {  	s12 =	sadd.s32 $0x1000, s10;
	s16 =	smov.u32 s10;
	p2 =	sgt.s32 s14, $0xC7  }
0x16: {  	s16 =	smov.u32 @p2 s12  }
0x17: {  	s14 =	simm.s32 @p2 $0x0;
	p2 =	sgt.s32 s16, $0xFFF  }
0x18: {  	s16 =	smov.u32 @p2 s2;
	p2 =	sne.s32 s11, s7  }
.Ltmp1:
0x19: {  	p1 =	slt.u32 s11, $0x2;
	(pc) =	sbr.rel @!p2 .LBB1_6-.Ltmp1, $4  }
0x1a: {  	s15 =	simm.s32 @!p1 $0x2  }
0x1b: {  	s13 =	smov.u32 s10;
	p0 =	por !p0, !p0;
	_ =	swait.ge @!p1 [sflag:s15], $0x2000  }
0x1c: {  	s12 =	smov.u32 s9;
	[sflag:s15] =	ssyncset.done @!p1 $0x0;
	s9 =	smov.u32 s14  }
0x1d: {  	s11 =	sadd.s32 $0x1, s11;
	[sflag:s15] =	ssyncadd.s32 @!p1 $0xFFFFE000;
	s10 =	smov.u32 s16  }
.LBB1_1:
0x1e: {  	p1 =	sge.u32 s11, s5  }
0x1f: {  	s14 =	sand.u32 @!p1 $0x1FFFFFF, s9  }
0x20: {  	s15 =	smulhi.u32 @!p1 $0x147AE15, s14;
	_ =	sdelay $0x1  }
0x21: {  	s15 =	smul.u32 @!p1 $0xC8, s15  }
0x22: {  	s16 =	sxor.u32 @!p1 $0xFFFFFFFF, s11;
	s17 =	smul.u32 @!p1 $0xC80, s10  }
0x23: {  	s31 =	sadd.s32 $0xFFFFFFFF, s11;
	s16 =	sshll.u32 @!p1 s16, $0xD;
	s14 =	ssub.s32 @!p1 s14, s15  }
0x24: {  	s15 =	sand.u32 @!p1 $0x2000, s16;
	s16 =	sadd.s32 @!p1 s6, s17;
	s14 =	sshll.u32 @!p1 s14, $0x4  }
0x25: {  	s17 =	simm.s32 @!p1 $0x6400;
	s14 =	sadd.s32 @!p1 s14, s16;
	s16 =	simm.s32 @!p1 $0x40  }
0x26: {  	[tilespmem:s15], [sflag:$0x1] =	stream.strided.gather @!p1 [hbm4b:s14+s16], $0x2000, s17, s16, $0x38;
	[tilespmem:$0x8080] =	vst v63  }
0x27: {  	p1 =	sge.u32 s31, s5  }
.Ltmp2:
0x28: {  	_ = 	snop;
	(pc) =	sbr.rel @p1 .LBB1_5-.Ltmp2, $1  }
0x29: {  	_ =	sdelay $0x3  }
0x2a: {  	s14 =	simm.s32 $0x1  }
0x2b: {  	_ =	swait.ge [sflag:s4], $0x2000;
	s14 =	simm.s32 @!p0 $0x0  }
0x2c: {  	[sflag:s4] =	ssyncset.done $0x0;
	s15 =	sshll.u32 s14, $0xD  }
0x2d: {  	[sflag:s4] =	ssyncadd.s32 $0xFFFFE000;
	s18 =	sor.u32 $0x20, s15  }
0x2e: {  	s14 =	smul.u32 $0x8100, s14;
	v3 =	vld [tilespmem:s18+$0x10]  }
0x2f: {  	s30 =	sand.u32 $0x1, s11;
	v2 =	vld [tilespmem:s18+$0xFFFFFFF0]  }
0x30: {  	s15 =	smul.u32 $0x8100, s30;
	s14 =	sshrl.u32 s14, $0x2;
	v0 =	vld [tilespmem:s18+$0x0]  }
0x31: {  	v1 =	vld [tilespmem:s18+$0xFFFFFFE0];
	s16 =	sor.u32 $0x4000, s14  }
0x32: {  	s31 =	sshrl.u32 s15, $0x2;
	s15 =	sadd.s32 $0x0, s16  }
0x33: {  	s17 =	simm.s32 $0x4;
	s18 =	sadd.s32 $0x40, s18;
	s14 =	sor.u32 $0x4000, s31;
	[tilespmem:s15+$0x1830 ss:$0x81] =	vst.msk $0xffff, v3  }
.LBB1_3:
0x34: {  	v3 =	vld [tilespmem:s18+$0x10];
	p1 =	sne.s32 s17, $0x1FC;
	[tilespmem:s15+$0x810 ss:$0x81] =	vst.msk $0xffff, v2;
	s19 =	smov.u32 s17;
	s17 =	sadd.s32 $0x4, s17  }
.Ltmp3:
0x35: {  	v2 =	vld [tilespmem:s18+$0xFFFFFFF0];
	[tilespmem:s15+$0x1020 ss:$0x81] =	vst.msk $0xffff, v0;
	(pc) =	sbr.rel @p1 .LBB1_3-.Ltmp3, $4  }
0x36: {  	v0 =	vld [tilespmem:s18+$0x0];
	[tilespmem:s15+$0x0 ss:$0x81] =	vst.msk $0xffff, v1  }
0x37: {  	s15 =	sshra.s32 s19, $0x2;
	v1 =	vld [tilespmem:s18+$0xFFFFFFE0]  }
0x38: {  	s15 =	sadd.s32 s15, s16  }
0x39: {  	s18 =	sadd.s32 $0x40, s18;
	[tilespmem:s15+$0x1830 ss:$0x81] =	vst.msk $0xffff, v3  }
.Ltmp4:
0x3a: {  	_ = 	snop;
	(pc) =	sbr.rel .LBB1_4-.Ltmp4, $1  }
0x3b: {  	_ =	sdelay $0x3  }
.LBB1_6:
0x3c: {  	_ =	sfence.sel $0x180000  }
0x3d: {  	s2 =	simm.s32 $0x1;
	[bflag:$0x0] =	sbarrier.arrive $0xFFFF  }
0x3e: {  	s31 =	simm.s32 $0x2;
	[sflag:s2] =	ssyncpa.u1 $0x1  }
0x3f: {  	[sflag:s31] =	ssyncpa.u1 $0x1  }
0x40: {  	p0 =	sne.s32 s0, $0x0;
	_ =	strace $0x9000004A  }
0x41: {  	s0 =	sadd.s32 @!p0 $0x100000, s1;
	[bflag:$0x2] =	sbarrier.arrive $0xFFFF  }
0x42: {  	[sflag:s0] =	ssyncadd.tile.s32 @!p0 $0x1;
	_ =	shalt  }
.Lfunc_end1:
_tile_overlayer_lowered:
.L_overlay_start_2:
0x43: {  	(tag) =	ssettag $0x2  }
0x44: {  	s0 =	rddreg [dreg:$0x0];
	s2 =	stileid.u32  }
0x45: {  	s1 =	rddreg [dreg:$0x1];
	p0 =	sne.s32 s2, $0x0  }
0x46: {  	s3 =	rddreg [dreg:$0x2];
	[bflag:$0x3] =	sbarrier.arrive $0xFFFF;
	s2 =	simm.s32 @!p0 $0x1C01  }
0x47: {  	[timem:s3], [sflag:s2] =	dma.local @!p0 [hbm:s0], s1  }
0x48: {  	s0 =	simm.s32 @!p0 $0x1  }
0x49: {  	_ =	swait.ge @!p0 [sflag:s0], s1  }
0x4a: {  	s1 =	ssub.s32 @!p0 $0x0, s1;
	[sflag:s0] =	ssyncset.done @!p0 $0x0  }
0x4b: {  	[sflag:s0] =	ssyncadd.s32 @!p0 s1  }
0x4c: {  	[bflag:$0x3] =	sbarrier.arrive $0xFFFF  }
0x4d: {  	_ =	shalt  }

</sc_bundles>
